<compile_context>
chip_gen: v7x
topology: tpu7x:2x2x1
jax: 0.10.2.dev20260603
libtpu: 0.0.44.dev20260713+nightly
codegen_flags: <defaults>
</compile_context>

<pallas_src>
import functools

import jax
import jax.numpy as jnp
from jax import lax
from jax.experimental import pallas as pl
from jax.experimental.pallas import tpu as pltpu
from jax.experimental.pallas import tpu_sc as plsc

NC = 2
NS = 16
L = 16


def _sc_mesh():
    return plsc.VectorSubcoreMesh(core_axis_name="c", subcore_axis_name="s",
                                  num_cores=NC, num_subcores=NS)


def _sc_degree(dst, n):
    e = dst.shape[0]
    per = e // (NC * NS)
    K = 40
    assert per % K == 0 and per % 8 == 0
    nch = per // K
    DW = 128
    SZ = 640
    ZCH = 80
    last = n - (NS - 1) * SZ
    assert last > 0 and last % ZCH == 0 and SZ % ZCH == 0

    @functools.partial(
        pl.kernel,
        out_type=jax.ShapeDtypeStruct((NC, n, DW), jnp.float32),
        mesh=_sc_mesh(),
        scratch_types=[
            pltpu.VMEM((K, DW), jnp.float32),
            pltpu.VMEM((3, K), jnp.int32),
            pltpu.VMEM((ZCH, DW), jnp.float32),
            pltpu.VMEM_SHARED((n, DW), jnp.float32),
            pltpu.SemaphoreType.DMA((3,)),
        ],
    )
    def deg_kernel(dst_hbm, out_hbm, ones_v, idx_v, zbuf, deg_sh, isems):
        c = lax.axis_index("c")
        s = lax.axis_index("s")
        wid = c * NS + s

        def fill1(i, _):
            for l in range(DW // L):
                ones_v[i, pl.ds(l * L, L)] = jnp.ones((L,), jnp.float32)
            return ()
        lax.fori_loop(0, K, fill1, ())

        def zb(i, _):
            for l in range(DW // L):
                zbuf[i, pl.ds(l * L, L)] = jnp.zeros((L,), jnp.float32)
            return ()
        lax.fori_loop(0, ZCH, zb, ())

        @pl.when(s < NS - 1)
        def _():
            for i in range(SZ // ZCH):
                pltpu.sync_copy(zbuf, deg_sh.at[pl.ds(s * SZ + i * ZCH, ZCH)])

        @pl.when(s == NS - 1)
        def _():
            for i in range(last // ZCH):
                pltpu.sync_copy(
                    zbuf, deg_sh.at[pl.ds((NS - 1) * SZ + i * ZCH, ZCH)])
        plsc.subcore_barrier()

        base = wid * per

        def load_idx_async(j, slot):
            pltpu.async_copy(dst_hbm.at[pl.ds(base + j * K, K)],
                             idx_v.at[slot], isems.at[slot])

        def wait_idx(j, slot):
            pltpu.make_async_copy(dst_hbm.at[pl.ds(base + j * K, K)],
                                  idx_v.at[slot], isems.at[slot]).wait()

        load_idx_async(0, 0)
        load_idx_async(1, 1)

        def chunk(j, _):
            s0 = lax.rem(j, 3)
            s2 = lax.rem(j + 2, 3)

            @pl.when(j + 2 < nch)
            def _():
                load_idx_async(j + 2, s2)

            wait_idx(j, s0)
            pltpu.sync_copy(ones_v, deg_sh.at[idx_v.at[s0]], add=True)
            return ()
        lax.fori_loop(0, nch, chunk, ())
        plsc.subcore_barrier()

        @pl.when(s < NS - 1)
        def _():
            pltpu.sync_copy(deg_sh.at[pl.ds(s * SZ, SZ)],
                            out_hbm.at[c, pl.ds(s * SZ, SZ)])

        @pl.when(s == NS - 1)
        def _():
            pltpu.sync_copy(deg_sh.at[pl.ds((NS - 1) * SZ, last)],
                            out_hbm.at[c, pl.ds((NS - 1) * SZ, last)])

    return deg_kernel(dst)


def _tc_prescale(deg2, x):
    n, d = x.shape
    F = d // 2

    bn = 2000
    assert n % bn == 0

    def body(deg_ref, x_ref, o_ref, dinv_ref):
        deg = deg_ref[0, :, 0] + deg_ref[1, :, 0] + 1.0
        dinv = lax.rsqrt(deg)[:, None]
        o_ref[0] = x_ref[:, :F] * dinv
        o_ref[1] = x_ref[:, F:] * dinv
        dinv_ref[...] = dinv

    return pl.pallas_call(
        body,
        grid=(n // bn,),
        in_specs=[
            pl.BlockSpec((2, bn, 128), lambda i: (0, i, 0)),
            pl.BlockSpec((bn, d), lambda i: (i, 0)),
        ],
        out_specs=(pl.BlockSpec((2, bn, F), lambda i: (0, i, 0)),
                   pl.BlockSpec((bn, 1), lambda i: (i, 0))),
        out_shape=(jax.ShapeDtypeStruct((2, n, F), jnp.float32),
                   jax.ShapeDtypeStruct((n, 1), jnp.float32)),
    )(deg2, x)


def _sc_aggregate(xs_flat, src, dst, n, F):
    e = src.shape[0]
    per = e // NS
    K = 80
    assert per % K == 0
    nch = per // K
    SZ = 640
    last = n - (NS - 1) * SZ
    assert last > 0 and last % 8 == 0
    NBUF = 4

    @functools.partial(
        pl.kernel,
        out_type=jax.ShapeDtypeStruct((NC, n, F), jnp.float32),
        mesh=_sc_mesh(),
        scratch_types=[
            pltpu.VMEM((NBUF, K), jnp.int32),
            pltpu.VMEM((NBUF, K), jnp.int32),
            pltpu.VMEM((NBUF, K, F), jnp.float32),
            pltpu.VMEM_SHARED((n, F), jnp.float32),
            pltpu.SemaphoreType.DMA((NBUF,)),
            pltpu.SemaphoreType.DMA((NBUF,)),
        ],
    )
    def agg_kernel(xs_hbm, src_hbm, dst_hbm, out_hbm, gidx, sidx, rows, acc_sh,
                   sems, isems):
        c = lax.axis_index("c")
        s = lax.axis_index("s")

        @pl.when(s < NS - 1)
        def _():
            pltpu.sync_copy(xs_hbm.at[pl.ds(c * n + s * SZ, SZ)],
                            acc_sh.at[pl.ds(s * SZ, SZ)])

        @pl.when(s == NS - 1)
        def _():
            pltpu.sync_copy(xs_hbm.at[pl.ds(c * n + (NS - 1) * SZ, last)],
                            acc_sh.at[pl.ds((NS - 1) * SZ, last)])
        plsc.subcore_barrier()

        base = s * per
        cn = jnp.full((L,), c * n, jnp.int32)

        def load_idx_async(j, slot):
            pltpu.async_copy(src_hbm.at[pl.ds(base + j * K, K)],
                             gidx.at[slot], isems.at[slot])
            pltpu.async_copy(dst_hbm.at[pl.ds(base + j * K, K)],
                             sidx.at[slot], isems.at[slot])

        def wait_idx(j, slot):
            pltpu.make_async_copy(src_hbm.at[pl.ds(base + j * K, K)],
                                  gidx.at[slot], isems.at[slot]).wait()
            pltpu.make_async_copy(dst_hbm.at[pl.ds(base + j * K, K)],
                                  sidx.at[slot], isems.at[slot]).wait()

        def add_cn(slot):
            for i in range(K // L):
                gidx[slot, pl.ds(i * L, L)] = gidx[slot, pl.ds(i * L, L)] + cn

        def start_gather(j, slot):
            pltpu.async_copy(xs_hbm.at[gidx.at[slot]], rows.at[slot],
                             sems.at[slot])

        def wait_gather(slot):
            pltpu.make_async_copy(xs_hbm.at[gidx.at[slot]], rows.at[slot],
                                  sems.at[slot]).wait()

        load_idx_async(0, 0)
        load_idx_async(1, 1)
        load_idx_async(2, 2)
        wait_idx(0, 0)
        add_cn(0)
        start_gather(0, 0)
        wait_idx(1, 1)
        add_cn(1)
        start_gather(1, 1)

        def chunk(j, _):
            s0 = lax.rem(j, NBUF)
            s2 = lax.rem(j + 2, NBUF)
            s3 = lax.rem(j + 3, NBUF)

            @pl.when(j + 3 < nch)
            def _():
                load_idx_async(j + 3, s3)

            @pl.when(j + 2 < nch)
            def _():
                wait_idx(j + 2, s2)
                add_cn(s2)
                start_gather(j + 2, s2)

            wait_gather(s0)
            pltpu.sync_copy(rows.at[s0], acc_sh.at[sidx.at[s0]], add=True)
            return ()
        lax.fori_loop(0, nch, chunk, ())
        plsc.subcore_barrier()

        @pl.when(s < NS - 1)
        def _():
            pltpu.sync_copy(acc_sh.at[pl.ds(s * SZ, SZ)],
                            out_hbm.at[c, pl.ds(s * SZ, SZ)])

        @pl.when(s == NS - 1)
        def _():
            pltpu.sync_copy(acc_sh.at[pl.ds((NS - 1) * SZ, last)],
                            out_hbm.at[c, pl.ds((NS - 1) * SZ, last)])

    return agg_kernel(xs_flat, src, dst)


def _tc_finish(dinv, agg, W, b):
    n = agg.shape[1]
    F = agg.shape[2]
    hid = W.shape[1]
    bn = 1000
    assert n % bn == 0

    def body(dinv_ref, a_ref, w_ref, b_ref, o_ref):
        dv = dinv_ref[...]
        h0 = jnp.dot(a_ref[0] * dv, w_ref[:F, :],
                     preferred_element_type=jnp.float32,
                     precision=lax.Precision.HIGHEST)
        h1 = jnp.dot(a_ref[1] * dv, w_ref[F:, :],
                     preferred_element_type=jnp.float32,
                     precision=lax.Precision.HIGHEST)
        o_ref[...] = jnp.maximum(h0 + h1 + b_ref[0, :], 0.0)

    return pl.pallas_call(
        body,
        grid=(n // bn,),
        in_specs=[
            pl.BlockSpec((bn, 1), lambda i: (i, 0)),
            pl.BlockSpec((2, bn, F), lambda i: (0, i, 0)),
            pl.BlockSpec((2 * F, hid), lambda i: (0, 0)),
            pl.BlockSpec((1, hid), lambda i: (0, 0)),
        ],
        out_specs=pl.BlockSpec((bn, hid), lambda i: (i, 0)),
        out_shape=jax.ShapeDtypeStruct((n, hid), jnp.float32),
    )(dinv, agg, W, b.reshape(1, hid))


def kernel(x, edge_index, W, b):
    n, d = x.shape
    F = d // 2
    src = edge_index[0]
    dst = edge_index[1]
    deg2 = _sc_degree(dst, n)
    xs, dinv = _tc_prescale(deg2, x)
    agg = _sc_aggregate(xs.reshape(2 * n, F), src, dst, n, F)
    return _tc_finish(dinv, agg, W, b)

# --- scband reference (transcript-rebuilt; emitter-appended) ---
"""Pipeline reference for scband-standard-gcnlayer-32770600468658 (READ-ONLY COPY).

The authoritative reference and input builder live on the scoring server;
editing this copy changes nothing except your own understanding.
"""

import jax, jax.numpy as jnp
import numpy as np

N = 10000
E = 160000
IN_DIM = 256
HID_DIM = 512


def setup_inputs(seed: int = 0) -> dict:
    key = jax.random.key(seed)
    k1, k2, k3 = jax.random.split(key, 3)
    x = jax.random.normal(k1, (N, IN_DIM), dtype=jnp.float32)
    edge_index = jax.random.randint(k2, (2, E), 0, N, dtype=jnp.int32)
    # GCNConv learned parameters: weight [in_dim, hid_dim] (glorot-ish) and bias [hid_dim]
    W = jax.random.normal(k3, (IN_DIM, HID_DIM), dtype=jnp.float32) * (1.0 / np.sqrt(IN_DIM))
    b = jnp.zeros((HID_DIM,), dtype=jnp.float32)
    return {"x": x, "edge_index": edge_index, "W": W, "b": b}


def reference(x, edge_index, W, b):
    # Faithful GCNConv (PyG semantics): add self-loops, symmetric D^-1/2 (A+I) D^-1/2 normalization,
    # linear transform, sum aggregation, bias, then ReLU (the StandardGCNLayer forward).
    n = x.shape[0]
    src = edge_index[0]
    dst = edge_index[1]
    loop = jnp.arange(n, dtype=src.dtype)
    src = jnp.concatenate([src, loop])
    dst = jnp.concatenate([dst, loop])
    # degree computed on destination nodes (scatter-add of ones)
    deg = jnp.zeros((n,), dtype=x.dtype).at[dst].add(1.0)
    dinv = jnp.where(deg > 0, jax.lax.rsqrt(deg), 0.0)
    norm = dinv[src] * dinv[dst]
    # transform first (in_dim -> hid_dim), then propagate
    h = x @ W
    msg = h[src] * norm[:, None]          # gather + edgewise scale
    out = jnp.zeros((n, h.shape[1]), dtype=h.dtype).at[dst].add(msg)  # scatter-add
    out = out + b
    return jax.nn.relu(out)

if __name__ == "__main__":
    import jax
    _d = setup_inputs()
    print(jax.jit(kernel)(*tuple(_d.values())))

</pallas_src>

<mosaic_0001>
#map = affine_map<(d0, d1) -> (0)>
#map1 = affine_map<(d0, d1) -> (0, 0, 0)>
module attributes {stable_mosaic.version = 14 : i64} {
  func.func @deg_kernel(%arg0: i32, %arg1: i32, %arg2: memref<160000xi32, #tpu.memory_space<hbm>>, %arg3: memref<2x10000x128xf32, #tpu.memory_space<hbm>>, %arg4: memref<40x128xf32, #tpu.memory_space<vmem>>, %arg5: memref<3x40xi32, #tpu.memory_space<vmem>>, %arg6: memref<80x128xf32, #tpu.memory_space<vmem>>, %arg7: memref<10000x128xf32, #tpu.memory_space<vmem_shared>>, %arg8: memref<3x!tpu.dma_semaphore, #tpu.memory_space<semaphore_mem>>) attributes {dimension_semantics = [#tpu.dimension_semantics<core_parallel>, #tpu.dimension_semantics<subcore_parallel>], iteration_bounds = array<i64: 2, 16>, scalar_prefetch = 0 : i64, scratch_operands = 5 : i64, tpu.core_type = #tpu.core_type<sc_vector_subcore>, window_params = [{transform_indices = #map}, {transform_indices = #map1}]} {
    %mul3A = arith.constant 16 : i32
    %mul3A_0 = arith.muli %arg0, %mul3A : i32
    %add3A = arith.addi %mul3A_0, %arg1 : i32
    %scan3A = arith.constant 0 : i32
    %scan3A_1 = arith.constant 40 : i32
    %scan3A_2 = arith.addi %scan3A, %scan3A_1 : i32
    %scan3A_3 = arith.constant 1 : i32
    scf.for %scan3A_61 = %scan3A to %scan3A_2 step %scan3A_3  : i32 {
      %broadcast_in_dim3A = arith.constant 1.000000e+00 : f32
      %broadcast_in_dim3A_62 = vector.broadcast %broadcast_in_dim3A : f32 to vector<16xf32>
      %swap3A = arith.index_cast %scan3A_61 : i32 to index
      %swap3A_63 = arith.constant 0 : index
      %swap3A_64 = tpu.vector_load %arg4[%swap3A, %swap3A_63] {strides = array<i32>} : memref<40x128xf32, #tpu.memory_space<vmem>>, vector<1x16xf32>,
      %swap3A_65 = vector.shape_cast %swap3A_64 : vector<1x16xf32> to vector<16xf32>
      %swap3A_66 = vector.shape_cast %broadcast_in_dim3A_62 : vector<16xf32> to vector<1x16xf32>
      tpu.vector_store %arg4[%swap3A, %swap3A_63], %swap3A_66 {strides = array<i32>} : memref<40x128xf32, #tpu.memory_space<vmem>>, vector<1x16xf32>,
      %broadcast_in_dim3A_67 = arith.constant 1.000000e+00 : f32
      %broadcast_in_dim3A_68 = vector.broadcast %broadcast_in_dim3A_67 : f32 to vector<16xf32>
      %swap3A_69 = arith.index_cast %scan3A_61 : i32 to index
      %swap3A_70 = arith.constant 16 : index
      %swap3A_71 = tpu.vector_load %arg4[%swap3A_69, %swap3A_70] {strides = array<i32>} : memref<40x128xf32, #tpu.memory_space<vmem>>, vector<1x16xf32>,
      %swap3A_72 = vector.shape_cast %swap3A_71 : vector<1x16xf32> to vector<16xf32>
      %swap3A_73 = vector.shape_cast %broadcast_in_dim3A_68 : vector<16xf32> to vector<1x16xf32>
      tpu.vector_store %arg4[%swap3A_69, %swap3A_70], %swap3A_73 {strides = array<i32>} : memref<40x128xf32, #tpu.memory_space<vmem>>, vector<1x16xf32>,
      %broadcast_in_dim3A_74 = arith.constant 1.000000e+00 : f32
      %broadcast_in_dim3A_75 = vector.broadcast %broadcast_in_dim3A_74 : f32 to vector<16xf32>
      %swap3A_76 = arith.index_cast %scan3A_61 : i32 to index
      %swap3A_77 = arith.constant 32 : index
      %swap3A_78 = tpu.vector_load %arg4[%swap3A_76, %swap3A_77] {strides = array<i32>} : memref<40x128xf32, #tpu.memory_space<vmem>>, vector<1x16xf32>,
      %swap3A_79 = vector.shape_cast %swap3A_78 : vector<1x16xf32> to vector<16xf32>
      %swap3A_80 = vector.shape_cast %broadcast_in_dim3A_75 : vector<16xf32> to vector<1x16xf32>
      tpu.vector_store %arg4[%swap3A_76, %swap3A_77], %swap3A_80 {strides = array<i32>} : memref<40x128xf32, #tpu.memory_space<vmem>>, vector<1x16xf32>,
      %broadcast_in_dim3A_81 = arith.constant 1.000000e+00 : f32
      %broadcast_in_dim3A_82 = vector.broadcast %broadcast_in_dim3A_81 : f32 to vector<16xf32>
      %swap3A_83 = arith.index_cast %scan3A_61 : i32 to index
      %swap3A_84 = arith.constant 48 : index
      %swap3A_85 = tpu.vector_load %arg4[%swap3A_83, %swap3A_84] {strides = array<i32>} : memref<40x128xf32, #tpu.memory_space<vmem>>, vector<1x16xf32>,
      %swap3A_86 = vector.shape_cast %swap3A_85 : vector<1x16xf32> to vector<16xf32>
      %swap3A_87 = vector.shape_cast %broadcast_in_dim3A_82 : vector<16xf32> to vector<1x16xf32>
      tpu.vector_store %arg4[%swap3A_83, %swap3A_84], %swap3A_87 {strides = array<i32>} : memref<40x128xf32, #tpu.memory_space<vmem>>, vector<1x16xf32>,
      %broadcast_in_dim3A_88 = arith.constant 1.000000e+00 : f32
      %broadcast_in_dim3A_89 = vector.broadcast %broadcast_in_dim3A_88 : f32 to vector<16xf32>
      %swap3A_90 = arith.index_cast %scan3A_61 : i32 to index
      %swap3A_91 = arith.constant 64 : index
      %swap3A_92 = tpu.vector_load %arg4[%swap3A_90, %swap3A_91] {strides = array<i32>} : memref<40x128xf32, #tpu.memory_space<vmem>>, vector<1x16xf32>,
      %swap3A_93 = vector.shape_cast %swap3A_92 : vector<1x16xf32> to vector<16xf32>
      %swap3A_94 = vector.shape_cast %broadcast_in_dim3A_89 : vector<16xf32> to vector<1x16xf32>
      tpu.vector_store %arg4[%swap3A_90, %swap3A_91], %swap3A_94 {strides = array<i32>} : memref<40x128xf32, #tpu.memory_space<vmem>>, vector<1x16xf32>,
      %broadcast_in_dim3A_95 = arith.constant 1.000000e+00 : f32
      %broadcast_in_dim3A_96 = vector.broadcast %broadcast_in_dim3A_95 : f32 to vector<16xf32>
      %swap3A_97 = arith.index_cast %scan3A_61 : i32 to index
      %swap3A_98 = arith.constant 80 : index
      %swap3A_99 = tpu.vector_load %arg4[%swap3A_97, %swap3A_98] {strides = array<i32>} : memref<40x128xf32, #tpu.memory_space<vmem>>, vector<1x16xf32>,
      %swap3A_100 = vector.shape_cast %swap3A_99 : vector<1x16xf32> to vector<16xf32>
      %swap3A_101 = vector.shape_cast %broadcast_in_dim3A_96 : vector<16xf32> to vector<1x16xf32>
      tpu.vector_store %arg4[%swap3A_97, %swap3A_98], %swap3A_101 {strides = array<i32>} : memref<40x128xf32, #tpu.memory_space<vmem>>, vector<1x16xf32>,
      %broadcast_in_dim3A_102 = arith.constant 1.000000e+00 : f32
      %broadcast_in_dim3A_103 = vector.broadcast %broadcast_in_dim3A_102 : f32 to vector<16xf32>
      %swap3A_104 = arith.index_cast %scan3A_61 : i32 to index
      %swap3A_105 = arith.constant 96 : index
      %swap3A_106 = tpu.vector_load %arg4[%swap3A_104, %swap3A_105] {strides = array<i32>} : memref<40x128xf32, #tpu.memory_space<vmem>>, vector<1x16xf32>,
      %swap3A_107 = vector.shape_cast %swap3A_106 : vector<1x16xf32> to vector<16xf32>
      %swap3A_108 = vector.shape_cast %broadcast_in_dim3A_103 : vector<16xf32> to vector<1x16xf32>
      tpu.vector_store %arg4[%swap3A_104, %swap3A_105], %swap3A_108 {strides = array<i32>} : memref<40x128xf32, #tpu.memory_space<vmem>>, vector<1x16xf32>,
      %broadcast_in_dim3A_109 = arith.constant 1.000000e+00 : f32
      %broadcast_in_dim3A_110 = vector.broadcast %broadcast_in_dim3A_109 : f32 to vector<16xf32>
      %swap3A_111 = arith.index_cast %scan3A_61 : i32 to index
      %swap3A_112 = arith.constant 112 : index
      %swap3A_113 = tpu.vector_load %arg4[%swap3A_111, %swap3A_112] {strides = array<i32>} : memref<40x128xf32, #tpu.memory_space<vmem>>, vector<1x16xf32>,
      %swap3A_114 = vector.shape_cast %swap3A_113 : vector<1x16xf32> to vector<16xf32>
      %swap3A_115 = vector.shape_cast %broadcast_in_dim3A_110 : vector<16xf32> to vector<1x16xf32>
      tpu.vector_store %arg4[%swap3A_111, %swap3A_112], %swap3A_115 {strides = array<i32>} : memref<40x128xf32, #tpu.memory_space<vmem>>, vector<1x16xf32>,
    }
    %scan3A_4 = arith.constant 40 : i32
    %scan3A_5 = arith.constant 0 : i32
    %scan3A_6 = arith.constant 80 : i32
    %scan3A_7 = arith.addi %scan3A_5, %scan3A_6 : i32
    %scan3A_8 = arith.constant 1 : i32
    scf.for %scan3A_61 = %scan3A_5 to %scan3A_7 step %scan3A_8  : i32 {
      %broadcast_in_dim3A = arith.constant 0.000000e+00 : f32
      %broadcast_in_dim3A_62 = vector.broadcast %broadcast_in_dim3A : f32 to vector<16xf32>
      %swap3A = arith.index_cast %scan3A_61 : i32 to index
      %swap3A_63 = arith.constant 0 : index
      %swap3A_64 = tpu.vector_load %arg6[%swap3A, %swap3A_63] {strides = array<i32>} : memref<80x128xf32, #tpu.memory_space<vmem>>, vector<1x16xf32>,
      %swap3A_65 = vector.shape_cast %swap3A_64 : vector<1x16xf32> to vector<16xf32>
      %swap3A_66 = vector.shape_cast %broadcast_in_dim3A_62 : vector<16xf32> to vector<1x16xf32>
      tpu.vector_store %arg6[%swap3A, %swap3A_63], %swap3A_66 {strides = array<i32>} : memref<80x128xf32, #tpu.memory_space<vmem>>, vector<1x16xf32>,
      %broadcast_in_dim3A_67 = arith.constant 0.000000e+00 : f32
      %broadcast_in_dim3A_68 = vector.broadcast %broadcast_in_dim3A_67 : f32 to vector<16xf32>
      %swap3A_69 = arith.index_cast %scan3A_61 : i32 to index
      %swap3A_70 = arith.constant 16 : index
      %swap3A_71 = tpu.vector_load %arg6[%swap3A_69, %swap3A_70] {strides = array<i32>} : memref<80x128xf32, #tpu.memory_space<vmem>>, vector<1x16xf32>,
      %swap3A_72 = vector.shape_cast %swap3A_71 : vector<1x16xf32> to vector<16xf32>
      %swap3A_73 = vector.shape_cast %broadcast_in_dim3A_68 : vector<16xf32> to vector<1x16xf32>
      tpu.vector_store %arg6[%swap3A_69, %swap3A_70], %swap3A_73 {strides = array<i32>} : memref<80x128xf32, #tpu.memory_space<vmem>>, vector<1x16xf32>,
      %broadcast_in_dim3A_74 = arith.constant 0.000000e+00 : f32
      %broadcast_in_dim3A_75 = vector.broadcast %broadcast_in_dim3A_74 : f32 to vector<16xf32>
      %swap3A_76 = arith.index_cast %scan3A_61 : i32 to index
      %swap3A_77 = arith.constant 32 : index
      %swap3A_78 = tpu.vector_load %arg6[%swap3A_76, %swap3A_77] {strides = array<i32>} : memref<80x128xf32, #tpu.memory_space<vmem>>, vector<1x16xf32>,
      %swap3A_79 = vector.shape_cast %swap3A_78 : vector<1x16xf32> to vector<16xf32>
      %swap3A_80 = vector.shape_cast %broadcast_in_dim3A_75 : vector<16xf32> to vector<1x16xf32>
      tpu.vector_store %arg6[%swap3A_76, %swap3A_77], %swap3A_80 {strides = array<i32>} : memref<80x128xf32, #tpu.memory_space<vmem>>, vector<1x16xf32>,
      %broadcast_in_dim3A_81 = arith.constant 0.000000e+00 : f32
      %broadcast_in_dim3A_82 = vector.broadcast %broadcast_in_dim3A_81 : f32 to vector<16xf32>
      %swap3A_83 = arith.index_cast %scan3A_61 : i32 to index
      %swap3A_84 = arith.constant 48 : index
      %swap3A_85 = tpu.vector_load %arg6[%swap3A_83, %swap3A_84] {strides = array<i32>} : memref<80x128xf32, #tpu.memory_space<vmem>>, vector<1x16xf32>,
      %swap3A_86 = vector.shape_cast %swap3A_85 : vector<1x16xf32> to vector<16xf32>
      %swap3A_87 = vector.shape_cast %broadcast_in_dim3A_82 : vector<16xf32> to vector<1x16xf32>
      tpu.vector_store %arg6[%swap3A_83, %swap3A_84], %swap3A_87 {strides = array<i32>} : memref<80x128xf32, #tpu.memory_space<vmem>>, vector<1x16xf32>,
      %broadcast_in_dim3A_88 = arith.constant 0.000000e+00 : f32
      %broadcast_in_dim3A_89 = vector.broadcast %broadcast_in_dim3A_88 : f32 to vector<16xf32>
      %swap3A_90 = arith.index_cast %scan3A_61 : i32 to index
      %swap3A_91 = arith.constant 64 : index
      %swap3A_92 = tpu.vector_load %arg6[%swap3A_90, %swap3A_91] {strides = array<i32>} : memref<80x128xf32, #tpu.memory_space<vmem>>, vector<1x16xf32>,
      %swap3A_93 = vector.shape_cast %swap3A_92 : vector<1x16xf32> to vector<16xf32>
      %swap3A_94 = vector.shape_cast %broadcast_in_dim3A_89 : vector<16xf32> to vector<1x16xf32>
      tpu.vector_store %arg6[%swap3A_90, %swap3A_91], %swap3A_94 {strides = array<i32>} : memref<80x128xf32, #tpu.memory_space<vmem>>, vector<1x16xf32>,
      %broadcast_in_dim3A_95 = arith.constant 0.000000e+00 : f32
      %broadcast_in_dim3A_96 = vector.broadcast %broadcast_in_dim3A_95 : f32 to vector<16xf32>
      %swap3A_97 = arith.index_cast %scan3A_61 : i32 to index
      %swap3A_98 = arith.constant 80 : index
      %swap3A_99 = tpu.vector_load %arg6[%swap3A_97, %swap3A_98] {strides = array<i32>} : memref<80x128xf32, #tpu.memory_space<vmem>>, vector<1x16xf32>,
      %swap3A_100 = vector.shape_cast %swap3A_99 : vector<1x16xf32> to vector<16xf32>
      %swap3A_101 = vector.shape_cast %broadcast_in_dim3A_96 : vector<16xf32> to vector<1x16xf32>
      tpu.vector_store %arg6[%swap3A_97, %swap3A_98], %swap3A_101 {strides = array<i32>} : memref<80x128xf32, #tpu.memory_space<vmem>>, vector<1x16xf32>,
      %broadcast_in_dim3A_102 = arith.constant 0.000000e+00 : f32
      %broadcast_in_dim3A_103 = vector.broadcast %broadcast_in_dim3A_102 : f32 to vector<16xf32>
      %swap3A_104 = arith.index_cast %scan3A_61 : i32 to index
      %swap3A_105 = arith.constant 96 : index
      %swap3A_106 = tpu.vector_load %arg6[%swap3A_104, %swap3A_105] {strides = array<i32>} : memref<80x128xf32, #tpu.memory_space<vmem>>, vector<1x16xf32>,
      %swap3A_107 = vector.shape_cast %swap3A_106 : vector<1x16xf32> to vector<16xf32>
      %swap3A_108 = vector.shape_cast %broadcast_in_dim3A_103 : vector<16xf32> to vector<1x16xf32>
      tpu.vector_store %arg6[%swap3A_104, %swap3A_105], %swap3A_108 {strides = array<i32>} : memref<80x128xf32, #tpu.memory_space<vmem>>, vector<1x16xf32>,
      %broadcast_in_dim3A_109 = arith.constant 0.000000e+00 : f32
      %broadcast_in_dim3A_110 = vector.broadcast %broadcast_in_dim3A_109 : f32 to vector<16xf32>
      %swap3A_111 = arith.index_cast %scan3A_61 : i32 to index
      %swap3A_112 = arith.constant 112 : index
      %swap3A_113 = tpu.vector_load %arg6[%swap3A_111, %swap3A_112] {strides = array<i32>} : memref<80x128xf32, #tpu.memory_space<vmem>>, vector<1x16xf32>,
      %swap3A_114 = vector.shape_cast %swap3A_113 : vector<1x16xf32> to vector<16xf32>
      %swap3A_115 = vector.shape_cast %broadcast_in_dim3A_110 : vector<16xf32> to vector<1x16xf32>
      tpu.vector_store %arg6[%swap3A_111, %swap3A_112], %swap3A_115 {strides = array<i32>} : memref<80x128xf32, #tpu.memory_space<vmem>>, vector<1x16xf32>,
    }
    %scan3A_9 = arith.constant 80 : i32
    %lt3A = arith.constant 15 : i32
    %lt3A_10 = arith.cmpi slt, %arg1, %lt3A : i32
    %convert_element_type3A = arith.extui %lt3A_10 : i1 to i32
    %cond3A = arith.constant 0 : i32
    %cond3A_11 = arith.cmpi ne, %convert_element_type3A, %cond3A : i32
    scf.if %cond3A_11 {
      %mul3A_61 = arith.constant 640 : i32
      %mul3A_62 = arith.muli %arg1, %mul3A_61 : i32
      %add3A_63 = arith.constant 0 : i32
      %add3A_64 = arith.addi %mul3A_62, %add3A_63 : i32
      "tpu.region"() ({
        %run_scoped3A = tpu.sem_alloc : memref<!tpu.dma_semaphore, #tpu.memory_space<semaphore_mem>>
        %dma_start3A_93 = arith.constant 0 : i32
        %dma_start3A_94 = tpu.memref_slice %arg7[%add3A_64, %dma_start3A_93] : memref<10000x128xf32, #tpu.memory_space<vmem_shared>> -> memref<80x128xf32, #tpu.memory_space<vmem_shared>>
        %dma_start3A_95 = arith.constant 0 : i32
        %dma_start3A_96 = tpu.memref_slice %arg7[%add3A_64, %dma_start3A_95] : memref<10000x128xf32, #tpu.memory_space<vmem_shared>> -> memref<80x128xf32, #tpu.memory_space<vmem_shared>>
        tpu.enqueue_dma source(%arg6 : memref<80x128xf32, #tpu.memory_space<vmem>>) target(%dma_start3A_96 : memref<80x128xf32, #tpu.memory_space<vmem_shared>>) target_semaphore(%run_scoped3A : memref<!tpu.dma_semaphore, #tpu.memory_space<semaphore_mem>>)
        %dma_wait3A = arith.constant 0 : i32
        %dma_wait3A_97 = tpu.memref_slice %arg7[%add3A_64, %dma_wait3A] : memref<10000x128xf32, #tpu.memory_space<vmem_shared>> -> memref<80x128xf32, #tpu.memory_space<vmem_shared>>
        %dma_wait3A_98 = arith.constant 0 : i32
        %dma_wait3A_99 = tpu.memref_slice %arg7[%add3A_64, %dma_wait3A_98] : memref<10000x128xf32, #tpu.memory_space<vmem_shared>> -> memref<80x128xf32, #tpu.memory_space<vmem_shared>>
        tpu.wait_dma2 semaphore(%run_scoped3A : memref<!tpu.dma_semaphore, #tpu.memory_space<semaphore_mem>>) src(%arg6 : memref<80x128xf32, #tpu.memory_space<vmem>>) dst(%dma_wait3A_99 : memref<80x128xf32, #tpu.memory_space<vmem_shared>>)
        tpu.yield
      }) : () -> ()
      %mul3A_65 = arith.constant 640 : i32
      %mul3A_66 = arith.muli %arg1, %mul3A_65 : i32
      %add3A_67 = arith.constant 80 : i32
      %add3A_68 = arith.addi %mul3A_66, %add3A_67 : i32
      "tpu.region"() ({
        %run_scoped3A = tpu.sem_alloc : memref<!tpu.dma_semaphore, #tpu.memory_space<semaphore_mem>>
        %dma_start3A_93 = arith.constant 0 : i32
        %dma_start3A_94 = tpu.memref_slice %arg7[%add3A_68, %dma_start3A_93] : memref<10000x128xf32, #tpu.memory_space<vmem_shared>> -> memref<80x128xf32, #tpu.memory_space<vmem_shared>>
        %dma_start3A_95 = arith.constant 0 : i32
        %dma_start3A_96 = tpu.memref_slice %arg7[%add3A_68, %dma_start3A_95] : memref<10000x128xf32, #tpu.memory_space<vmem_shared>> -> memref<80x128xf32, #tpu.memory_space<vmem_shared>>
        tpu.enqueue_dma source(%arg6 : memref<80x128xf32, #tpu.memory_space<vmem>>) target(%dma_start3A_96 : memref<80x128xf32, #tpu.memory_space<vmem_shared>>) target_semaphore(%run_scoped3A : memref<!tpu.dma_semaphore, #tpu.memory_space<semaphore_mem>>)
        %dma_wait3A = arith.constant 0 : i32
        %dma_wait3A_97 = tpu.memref_slice %arg7[%add3A_68, %dma_wait3A] : memref<10000x128xf32, #tpu.memory_space<vmem_shared>> -> memref<80x128xf32, #tpu.memory_space<vmem_shared>>
        %dma_wait3A_98 = arith.constant 0 : i32
        %dma_wait3A_99 = tpu.memref_slice %arg7[%add3A_68, %dma_wait3A_98] : memref<10000x128xf32, #tpu.memory_space<vmem_shared>> -> memref<80x128xf32, #tpu.memory_space<vmem_shared>>
        tpu.wait_dma2 semaphore(%run_scoped3A : memref<!tpu.dma_semaphore, #tpu.memory_space<semaphore_mem>>) src(%arg6 : memref<80x128xf32, #tpu.memory_space<vmem>>) dst(%dma_wait3A_99 : memref<80x128xf32, #tpu.memory_space<vmem_shared>>)
        tpu.yield
      }) : () -> ()
      %mul3A_69 = arith.constant 640 : i32
      %mul3A_70 = arith.muli %arg1, %mul3A_69 : i32
      %add3A_71 = arith.constant 160 : i32
      %add3A_72 = arith.addi %mul3A_70, %add3A_71 : i32
      "tpu.region"() ({
        %run_scoped3A = tpu.sem_alloc : memref<!tpu.dma_semaphore, #tpu.memory_space<semaphore_mem>>
        %dma_start3A_93 = arith.constant 0 : i32
        %dma_start3A_94 = tpu.memref_slice %arg7[%add3A_72, %dma_start3A_93] : memref<10000x128xf32, #tpu.memory_space<vmem_shared>> -> memref<80x128xf32, #tpu.memory_space<vmem_shared>>
        %dma_start3A_95 = arith.constant 0 : i32
        %dma_start3A_96 = tpu.memref_slice %arg7[%add3A_72, %dma_start3A_95] : memref<10000x128xf32, #tpu.memory_space<vmem_shared>> -> memref<80x128xf32, #tpu.memory_space<vmem_shared>>
        tpu.enqueue_dma source(%arg6 : memref<80x128xf32, #tpu.memory_space<vmem>>) target(%dma_start3A_96 : memref<80x128xf32, #tpu.memory_space<vmem_shared>>) target_semaphore(%run_scoped3A : memref<!tpu.dma_semaphore, #tpu.memory_space<semaphore_mem>>)
        %dma_wait3A = arith.constant 0 : i32
        %dma_wait3A_97 = tpu.memref_slice %arg7[%add3A_72, %dma_wait3A] : memref<10000x128xf32, #tpu.memory_space<vmem_shared>> -> memref<80x128xf32, #tpu.memory_space<vmem_shared>>
        %dma_wait3A_98 = arith.constant 0 : i32
        %dma_wait3A_99 = tpu.memref_slice %arg7[%add3A_72, %dma_wait3A_98] : memref<10000x128xf32, #tpu.memory_space<vmem_shared>> -> memref<80x128xf32, #tpu.memory_space<vmem_shared>>
        tpu.wait_dma2 semaphore(%run_scoped3A : memref<!tpu.dma_semaphore, #tpu.memory_space<semaphore_mem>>) src(%arg6 : memref<80x128xf32, #tpu.memory_space<vmem>>) dst(%dma_wait3A_99 : memref<80x128xf32, #tpu.memory_space<vmem_shared>>)
        tpu.yield
      }) : () -> ()
      %mul3A_73 = arith.constant 640 : i32
      %mul3A_74 = arith.muli %arg1, %mul3A_73 : i32
      %add3A_75 = arith.constant 240 : i32
      %add3A_76 = arith.addi %mul3A_74, %add3A_75 : i32
      "tpu.region"() ({
        %run_scoped3A = tpu.sem_alloc : memref<!tpu.dma_semaphore, #tpu.memory_space<semaphore_mem>>
        %dma_start3A_93 = arith.constant 0 : i32
        %dma_start3A_94 = tpu.memref_slice %arg7[%add3A_76, %dma_start3A_93] : memref<10000x128xf32, #tpu.memory_space<vmem_shared>> -> memref<80x128xf32, #tpu.memory_space<vmem_shared>>
        %dma_start3A_95 = arith.constant 0 : i32
        %dma_start3A_96 = tpu.memref_slice %arg7[%add3A_76, %dma_start3A_95] : memref<10000x128xf32, #tpu.memory_space<vmem_shared>> -> memref<80x128xf32, #tpu.memory_space<vmem_shared>>
        tpu.enqueue_dma source(%arg6 : memref<80x128xf32, #tpu.memory_space<vmem>>) target(%dma_start3A_96 : memref<80x128xf32, #tpu.memory_space<vmem_shared>>) target_semaphore(%run_scoped3A : memref<!tpu.dma_semaphore, #tpu.memory_space<semaphore_mem>>)
        %dma_wait3A = arith.constant 0 : i32
        %dma_wait3A_97 = tpu.memref_slice %arg7[%add3A_76, %dma_wait3A] : memref<10000x128xf32, #tpu.memory_space<vmem_shared>> -> memref<80x128xf32, #tpu.memory_space<vmem_shared>>
        %dma_wait3A_98 = arith.constant 0 : i32
        %dma_wait3A_99 = tpu.memref_slice %arg7[%add3A_76, %dma_wait3A_98] : memref<10000x128xf32, #tpu.memory_space<vmem_shared>> -> memref<80x128xf32, #tpu.memory_space<vmem_shared>>
        tpu.wait_dma2 semaphore(%run_scoped3A : memref<!tpu.dma_semaphore, #tpu.memory_space<semaphore_mem>>) src(%arg6 : memref<80x128xf32, #tpu.memory_space<vmem>>) dst(%dma_wait3A_99 : memref<80x128xf32, #tpu.memory_space<vmem_shared>>)
        tpu.yield
      }) : () -> ()
      %mul3A_77 = arith.constant 640 : i32
      %mul3A_78 = arith.muli %arg1, %mul3A_77 : i32
      %add3A_79 = arith.constant 320 : i32
      %add3A_80 = arith.addi %mul3A_78, %add3A_79 : i32
      "tpu.region"() ({
        %run_scoped3A = tpu.sem_alloc : memref<!tpu.dma_semaphore, #tpu.memory_space<semaphore_mem>>
        %dma_start3A_93 = arith.constant 0 : i32
        %dma_start3A_94 = tpu.memref_slice %arg7[%add3A_80, %dma_start3A_93] : memref<10000x128xf32, #tpu.memory_space<vmem_shared>> -> memref<80x128xf32, #tpu.memory_space<vmem_shared>>
        %dma_start3A_95 = arith.constant 0 : i32
        %dma_start3A_96 = tpu.memref_slice %arg7[%add3A_80, %dma_start3A_95] : memref<10000x128xf32, #tpu.memory_space<vmem_shared>> -> memref<80x128xf32, #tpu.memory_space<vmem_shared>>
        tpu.enqueue_dma source(%arg6 : memref<80x128xf32, #tpu.memory_space<vmem>>) target(%dma_start3A_96 : memref<80x128xf32, #tpu.memory_space<vmem_shared>>) target_semaphore(%run_scoped3A : memref<!tpu.dma_semaphore, #tpu.memory_space<semaphore_mem>>)
        %dma_wait3A = arith.constant 0 : i32
        %dma_wait3A_97 = tpu.memref_slice %arg7[%add3A_80, %dma_wait3A] : memref<10000x128xf32, #tpu.memory_space<vmem_shared>> -> memref<80x128xf32, #tpu.memory_space<vmem_shared>>
        %dma_wait3A_98 = arith.constant 0 : i32
        %dma_wait3A_99 = tpu.memref_slice %arg7[%add3A_80, %dma_wait3A_98] : memref<10000x128xf32, #tpu.memory_space<vmem_shared>> -> memref<80x128xf32, #tpu.memory_space<vmem_shared>>
        tpu.wait_dma2 semaphore(%run_scoped3A : memref<!tpu.dma_semaphore, #tpu.memory_space<semaphore_mem>>) src(%arg6 : memref<80x128xf32, #tpu.memory_space<vmem>>) dst(%dma_wait3A_99 : memref<80x128xf32, #tpu.memory_space<vmem_shared>>)
        tpu.yield
      }) : () -> ()
      %mul3A_81 = arith.constant 640 : i32
      %mul3A_82 = arith.muli %arg1, %mul3A_81 : i32
      %add3A_83 = arith.constant 400 : i32
      %add3A_84 = arith.addi %mul3A_82, %add3A_83 : i32
      "tpu.region"() ({
        %run_scoped3A = tpu.sem_alloc : memref<!tpu.dma_semaphore, #tpu.memory_space<semaphore_mem>>
        %dma_start3A_93 = arith.constant 0 : i32
        %dma_start3A_94 = tpu.memref_slice %arg7[%add3A_84, %dma_start3A_93] : memref<10000x128xf32, #tpu.memory_space<vmem_shared>> -> memref<80x128xf32, #tpu.memory_space<vmem_shared>>
        %dma_start3A_95 = arith.constant 0 : i32
        %dma_start3A_96 = tpu.memref_slice %arg7[%add3A_84, %dma_start3A_95] : memref<10000x128xf32, #tpu.memory_space<vmem_shared>> -> memref<80x128xf32, #tpu.memory_space<vmem_shared>>
        tpu.enqueue_dma source(%arg6 : memref<80x128xf32, #tpu.memory_space<vmem>>) target(%dma_start3A_96 : memref<80x128xf32, #tpu.memory_space<vmem_shared>>) target_semaphore(%run_scoped3A : memref<!tpu.dma_semaphore, #tpu.memory_space<semaphore_mem>>)
        %dma_wait3A = arith.constant 0 : i32
        %dma_wait3A_97 = tpu.memref_slice %arg7[%add3A_84, %dma_wait3A] : memref<10000x128xf32, #tpu.memory_space<vmem_shared>> -> memref<80x128xf32, #tpu.memory_space<vmem_shared>>
        %dma_wait3A_98 = arith.constant 0 : i32
        %dma_wait3A_99 = tpu.memref_slice %arg7[%add3A_84, %dma_wait3A_98] : memref<10000x128xf32, #tpu.memory_space<vmem_shared>> -> memref<80x128xf32, #tpu.memory_space<vmem_shared>>
        tpu.wait_dma2 semaphore(%run_scoped3A : memref<!tpu.dma_semaphore, #tpu.memory_space<semaphore_mem>>) src(%arg6 : memref<80x128xf32, #tpu.memory_space<vmem>>) dst(%dma_wait3A_99 : memref<80x128xf32, #tpu.memory_space<vmem_shared>>)
        tpu.yield
      }) : () -> ()
      %mul3A_85 = arith.constant 640 : i32
      %mul3A_86 = arith.muli %arg1, %mul3A_85 : i32
      %add3A_87 = arith.constant 480 : i32
      %add3A_88 = arith.addi %mul3A_86, %add3A_87 : i32
      "tpu.region"() ({
        %run_scoped3A = tpu.sem_alloc : memref<!tpu.dma_semaphore, #tpu.memory_space<semaphore_mem>>
        %dma_start3A_93 = arith.constant 0 : i32
        %dma_start3A_94 = tpu.memref_slice %arg7[%add3A_88, %dma_start3A_93] : memref<10000x128xf32, #tpu.memory_space<vmem_shared>> -> memref<80x128xf32, #tpu.memory_space<vmem_shared>>
        %dma_start3A_95 = arith.constant 0 : i32
        %dma_start3A_96 = tpu.memref_slice %arg7[%add3A_88, %dma_start3A_95] : memref<10000x128xf32, #tpu.memory_space<vmem_shared>> -> memref<80x128xf32, #tpu.memory_space<vmem_shared>>
        tpu.enqueue_dma source(%arg6 : memref<80x128xf32, #tpu.memory_space<vmem>>) target(%dma_start3A_96 : memref<80x128xf32, #tpu.memory_space<vmem_shared>>) target_semaphore(%run_scoped3A : memref<!tpu.dma_semaphore, #tpu.memory_space<semaphore_mem>>)
        %dma_wait3A = arith.constant 0 : i32
        %dma_wait3A_97 = tpu.memref_slice %arg7[%add3A_88, %dma_wait3A] : memref<10000x128xf32, #tpu.memory_space<vmem_shared>> -> memref<80x128xf32, #tpu.memory_space<vmem_shared>>
        %dma_wait3A_98 = arith.constant 0 : i32
        %dma_wait3A_99 = tpu.memref_slice %arg7[%add3A_88, %dma_wait3A_98] : memref<10000x128xf32, #tpu.memory_space<vmem_shared>> -> memref<80x128xf32, #tpu.memory_space<vmem_shared>>
        tpu.wait_dma2 semaphore(%run_scoped3A : memref<!tpu.dma_semaphore, #tpu.memory_space<semaphore_mem>>) src(%arg6 : memref<80x128xf32, #tpu.memory_space<vmem>>) dst(%dma_wait3A_99 : memref<80x128xf32, #tpu.memory_space<vmem_shared>>)
        tpu.yield
      }) : () -> ()
      %mul3A_89 = arith.constant 640 : i32
      %mul3A_90 = arith.muli %arg1, %mul3A_89 : i32
      %add3A_91 = arith.constant 560 : i32
      %add3A_92 = arith.addi %mul3A_90, %add3A_91 : i32
      "tpu.region"() ({
        %run_scoped3A = tpu.sem_alloc : memref<!tpu.dma_semaphore, #tpu.memory_space<semaphore_mem>>
        %dma_start3A_93 = arith.constant 0 : i32
        %dma_start3A_94 = tpu.memref_slice %arg7[%add3A_92, %dma_start3A_93] : memref<10000x128xf32, #tpu.memory_space<vmem_shared>> -> memref<80x128xf32, #tpu.memory_space<vmem_shared>>
        %dma_start3A_95 = arith.constant 0 : i32
        %dma_start3A_96 = tpu.memref_slice %arg7[%add3A_92, %dma_start3A_95] : memref<10000x128xf32, #tpu.memory_space<vmem_shared>> -> memref<80x128xf32, #tpu.memory_space<vmem_shared>>
        tpu.enqueue_dma source(%arg6 : memref<80x128xf32, #tpu.memory_space<vmem>>) target(%dma_start3A_96 : memref<80x128xf32, #tpu.memory_space<vmem_shared>>) target_semaphore(%run_scoped3A : memref<!tpu.dma_semaphore, #tpu.memory_space<semaphore_mem>>)
        %dma_wait3A = arith.constant 0 : i32
        %dma_wait3A_97 = tpu.memref_slice %arg7[%add3A_92, %dma_wait3A] : memref<10000x128xf32, #tpu.memory_space<vmem_shared>> -> memref<80x128xf32, #tpu.memory_space<vmem_shared>>
        %dma_wait3A_98 = arith.constant 0 : i32
        %dma_wait3A_99 = tpu.memref_slice %arg7[%add3A_92, %dma_wait3A_98] : memref<10000x128xf32, #tpu.memory_space<vmem_shared>> -> memref<80x128xf32, #tpu.memory_space<vmem_shared>>
        tpu.wait_dma2 semaphore(%run_scoped3A : memref<!tpu.dma_semaphore, #tpu.memory_space<semaphore_mem>>) src(%arg6 : memref<80x128xf32, #tpu.memory_space<vmem>>) dst(%dma_wait3A_99 : memref<80x128xf32, #tpu.memory_space<vmem_shared>>)
        tpu.yield
      }) : () -> ()
    } else {
    }
    %eq3A = arith.constant 15 : i32
    %eq3A_12 = arith.cmpi eq, %arg1, %eq3A : i32
    %convert_element_type3A_13 = arith.extui %eq3A_12 : i1 to i32
    %cond3A_14 = arith.constant 0 : i32
    %cond3A_15 = arith.cmpi ne, %convert_element_type3A_13, %cond3A_14 : i32
    scf.if %cond3A_15 {
      "tpu.region"() ({
        %run_scoped3A = tpu.sem_alloc : memref<!tpu.dma_semaphore, #tpu.memory_space<semaphore_mem>>
        %dma_start3A_61 = arith.constant 9600 : i32
        %dma_start3A_62 = arith.constant 0 : i32
        %dma_start3A_63 = tpu.memref_slice %arg7[%dma_start3A_61, %dma_start3A_62] : memref<10000x128xf32, #tpu.memory_space<vmem_shared>> -> memref<80x128xf32, #tpu.memory_space<vmem_shared>>
        %dma_start3A_64 = arith.constant 9600 : i32
        %dma_start3A_65 = arith.constant 0 : i32
        %dma_start3A_66 = tpu.memref_slice %arg7[%dma_start3A_64, %dma_start3A_65] : memref<10000x128xf32, #tpu.memory_space<vmem_shared>> -> memref<80x128xf32, #tpu.memory_space<vmem_shared>>
        tpu.enqueue_dma source(%arg6 : memref<80x128xf32, #tpu.memory_space<vmem>>) target(%dma_start3A_66 : memref<80x128xf32, #tpu.memory_space<vmem_shared>>) target_semaphore(%run_scoped3A : memref<!tpu.dma_semaphore, #tpu.memory_space<semaphore_mem>>)
        %dma_wait3A = arith.constant 9600 : i32
        %dma_wait3A_67 = arith.constant 0 : i32
        %dma_wait3A_68 = tpu.memref_slice %arg7[%dma_wait3A, %dma_wait3A_67] : memref<10000x128xf32, #tpu.memory_space<vmem_shared>> -> memref<80x128xf32, #tpu.memory_space<vmem_shared>>
        %dma_wait3A_69 = arith.constant 9600 : i32
        %dma_wait3A_70 = arith.constant 0 : i32
        %dma_wait3A_71 = tpu.memref_slice %arg7[%dma_wait3A_69, %dma_wait3A_70] : memref<10000x128xf32, #tpu.memory_space<vmem_shared>> -> memref<80x128xf32, #tpu.memory_space<vmem_shared>>
        tpu.wait_dma2 semaphore(%run_scoped3A : memref<!tpu.dma_semaphore, #tpu.memory_space<semaphore_mem>>) src(%arg6 : memref<80x128xf32, #tpu.memory_space<vmem>>) dst(%dma_wait3A_71 : memref<80x128xf32, #tpu.memory_space<vmem_shared>>)
        tpu.yield
      }) : () -> ()
      "tpu.region"() ({
        %run_scoped3A = tpu.sem_alloc : memref<!tpu.dma_semaphore, #tpu.memory_space<semaphore_mem>>
        %dma_start3A_61 = arith.constant 9680 : i32
        %dma_start3A_62 = arith.constant 0 : i32
        %dma_start3A_63 = tpu.memref_slice %arg7[%dma_start3A_61, %dma_start3A_62] : memref<10000x128xf32, #tpu.memory_space<vmem_shared>> -> memref<80x128xf32, #tpu.memory_space<vmem_shared>>
        %dma_start3A_64 = arith.constant 9680 : i32
        %dma_start3A_65 = arith.constant 0 : i32
        %dma_start3A_66 = tpu.memref_slice %arg7[%dma_start3A_64, %dma_start3A_65] : memref<10000x128xf32, #tpu.memory_space<vmem_shared>> -> memref<80x128xf32, #tpu.memory_space<vmem_shared>>
        tpu.enqueue_dma source(%arg6 : memref<80x128xf32, #tpu.memory_space<vmem>>) target(%dma_start3A_66 : memref<80x128xf32, #tpu.memory_space<vmem_shared>>) target_semaphore(%run_scoped3A : memref<!tpu.dma_semaphore, #tpu.memory_space<semaphore_mem>>)
        %dma_wait3A = arith.constant 9680 : i32
        %dma_wait3A_67 = arith.constant 0 : i32
        %dma_wait3A_68 = tpu.memref_slice %arg7[%dma_wait3A, %dma_wait3A_67] : memref<10000x128xf32, #tpu.memory_space<vmem_shared>> -> memref<80x128xf32, #tpu.memory_space<vmem_shared>>
        %dma_wait3A_69 = arith.constant 9680 : i32
        %dma_wait3A_70 = arith.constant 0 : i32
        %dma_wait3A_71 = tpu.memref_slice %arg7[%dma_wait3A_69, %dma_wait3A_70] : memref<10000x128xf32, #tpu.memory_space<vmem_shared>> -> memref<80x128xf32, #tpu.memory_space<vmem_shared>>
        tpu.wait_dma2 semaphore(%run_scoped3A : memref<!tpu.dma_semaphore, #tpu.memory_space<semaphore_mem>>) src(%arg6 : memref<80x128xf32, #tpu.memory_space<vmem>>) dst(%dma_wait3A_71 : memref<80x128xf32, #tpu.memory_space<vmem_shared>>)
        tpu.yield
      }) : () -> ()
      "tpu.region"() ({
        %run_scoped3A = tpu.sem_alloc : memref<!tpu.dma_semaphore, #tpu.memory_space<semaphore_mem>>
        %dma_start3A_61 = arith.constant 9760 : i32
        %dma_start3A_62 = arith.constant 0 : i32
        %dma_start3A_63 = tpu.memref_slice %arg7[%dma_start3A_61, %dma_start3A_62] : memref<10000x128xf32, #tpu.memory_space<vmem_shared>> -> memref<80x128xf32, #tpu.memory_space<vmem_shared>>
        %dma_start3A_64 = arith.constant 9760 : i32
        %dma_start3A_65 = arith.constant 0 : i32
        %dma_start3A_66 = tpu.memref_slice %arg7[%dma_start3A_64, %dma_start3A_65] : memref<10000x128xf32, #tpu.memory_space<vmem_shared>> -> memref<80x128xf32, #tpu.memory_space<vmem_shared>>
        tpu.enqueue_dma source(%arg6 : memref<80x128xf32, #tpu.memory_space<vmem>>) target(%dma_start3A_66 : memref<80x128xf32, #tpu.memory_space<vmem_shared>>) target_semaphore(%run_scoped3A : memref<!tpu.dma_semaphore, #tpu.memory_space<semaphore_mem>>)
        %dma_wait3A = arith.constant 9760 : i32
        %dma_wait3A_67 = arith.constant 0 : i32
        %dma_wait3A_68 = tpu.memref_slice %arg7[%dma_wait3A, %dma_wait3A_67] : memref<10000x128xf32, #tpu.memory_space<vmem_shared>> -> memref<80x128xf32, #tpu.memory_space<vmem_shared>>
        %dma_wait3A_69 = arith.constant 9760 : i32
        %dma_wait3A_70 = arith.constant 0 : i32
        %dma_wait3A_71 = tpu.memref_slice %arg7[%dma_wait3A_69, %dma_wait3A_70] : memref<10000x128xf32, #tpu.memory_space<vmem_shared>> -> memref<80x128xf32, #tpu.memory_space<vmem_shared>>
        tpu.wait_dma2 semaphore(%run_scoped3A : memref<!tpu.dma_semaphore, #tpu.memory_space<semaphore_mem>>) src(%arg6 : memref<80x128xf32, #tpu.memory_space<vmem>>) dst(%dma_wait3A_71 : memref<80x128xf32, #tpu.memory_space<vmem_shared>>)
        tpu.yield
      }) : () -> ()
      "tpu.region"() ({
        %run_scoped3A = tpu.sem_alloc : memref<!tpu.dma_semaphore, #tpu.memory_space<semaphore_mem>>
        %dma_start3A_61 = arith.constant 9840 : i32
        %dma_start3A_62 = arith.constant 0 : i32
        %dma_start3A_63 = tpu.memref_slice %arg7[%dma_start3A_61, %dma_start3A_62] : memref<10000x128xf32, #tpu.memory_space<vmem_shared>> -> memref<80x128xf32, #tpu.memory_space<vmem_shared>>
        %dma_start3A_64 = arith.constant 9840 : i32
        %dma_start3A_65 = arith.constant 0 : i32
        %dma_start3A_66 = tpu.memref_slice %arg7[%dma_start3A_64, %dma_start3A_65] : memref<10000x128xf32, #tpu.memory_space<vmem_shared>> -> memref<80x128xf32, #tpu.memory_space<vmem_shared>>
        tpu.enqueue_dma source(%arg6 : memref<80x128xf32, #tpu.memory_space<vmem>>) target(%dma_start3A_66 : memref<80x128xf32, #tpu.memory_space<vmem_shared>>) target_semaphore(%run_scoped3A : memref<!tpu.dma_semaphore, #tpu.memory_space<semaphore_mem>>)
        %dma_wait3A = arith.constant 9840 : i32
        %dma_wait3A_67 = arith.constant 0 : i32
        %dma_wait3A_68 = tpu.memref_slice %arg7[%dma_wait3A, %dma_wait3A_67] : memref<10000x128xf32, #tpu.memory_space<vmem_shared>> -> memref<80x128xf32, #tpu.memory_space<vmem_shared>>
        %dma_wait3A_69 = arith.constant 9840 : i32
        %dma_wait3A_70 = arith.constant 0 : i32
        %dma_wait3A_71 = tpu.memref_slice %arg7[%dma_wait3A_69, %dma_wait3A_70] : memref<10000x128xf32, #tpu.memory_space<vmem_shared>> -> memref<80x128xf32, #tpu.memory_space<vmem_shared>>
        tpu.wait_dma2 semaphore(%run_scoped3A : memref<!tpu.dma_semaphore, #tpu.memory_space<semaphore_mem>>) src(%arg6 : memref<80x128xf32, #tpu.memory_space<vmem>>) dst(%dma_wait3A_71 : memref<80x128xf32, #tpu.memory_space<vmem_shared>>)
        tpu.yield
      }) : () -> ()
      "tpu.region"() ({
        %run_scoped3A = tpu.sem_alloc : memref<!tpu.dma_semaphore, #tpu.memory_space<semaphore_mem>>
        %dma_start3A_61 = arith.constant 9920 : i32
        %dma_start3A_62 = arith.constant 0 : i32
        %dma_start3A_63 = tpu.memref_slice %arg7[%dma_start3A_61, %dma_start3A_62] : memref<10000x128xf32, #tpu.memory_space<vmem_shared>> -> memref<80x128xf32, #tpu.memory_space<vmem_shared>>
        %dma_start3A_64 = arith.constant 9920 : i32
        %dma_start3A_65 = arith.constant 0 : i32
        %dma_start3A_66 = tpu.memref_slice %arg7[%dma_start3A_64, %dma_start3A_65] : memref<10000x128xf32, #tpu.memory_space<vmem_shared>> -> memref<80x128xf32, #tpu.memory_space<vmem_shared>>
        tpu.enqueue_dma source(%arg6 : memref<80x128xf32, #tpu.memory_space<vmem>>) target(%dma_start3A_66 : memref<80x128xf32, #tpu.memory_space<vmem_shared>>) target_semaphore(%run_scoped3A : memref<!tpu.dma_semaphore, #tpu.memory_space<semaphore_mem>>)
        %dma_wait3A = arith.constant 9920 : i32
        %dma_wait3A_67 = arith.constant 0 : i32
        %dma_wait3A_68 = tpu.memref_slice %arg7[%dma_wait3A, %dma_wait3A_67] : memref<10000x128xf32, #tpu.memory_space<vmem_shared>> -> memref<80x128xf32, #tpu.memory_space<vmem_shared>>
        %dma_wait3A_69 = arith.constant 9920 : i32
        %dma_wait3A_70 = arith.constant 0 : i32
        %dma_wait3A_71 = tpu.memref_slice %arg7[%dma_wait3A_69, %dma_wait3A_70] : memref<10000x128xf32, #tpu.memory_space<vmem_shared>> -> memref<80x128xf32, #tpu.memory_space<vmem_shared>>
        tpu.wait_dma2 semaphore(%run_scoped3A : memref<!tpu.dma_semaphore, #tpu.memory_space<semaphore_mem>>) src(%arg6 : memref<80x128xf32, #tpu.memory_space<vmem>>) dst(%dma_wait3A_71 : memref<80x128xf32, #tpu.memory_space<vmem_shared>>)
        tpu.yield
      }) : () -> ()
    } else {
    }
    %barrier3A = arith.constant 0 : index
    tpu.barrier barrier_id(%barrier3A)
    %mul3A_16 = arith.constant 5000 : i32
    %mul3A_17 = arith.muli %add3A, %mul3A_16 : i32
    %add3A_18 = arith.constant 0 : i32
    %add3A_19 = arith.addi %mul3A_17, %add3A_18 : i32
    %dma_start3A = arith.constant 0 : i32
    %dma_start3A_20 = arith.constant 0 : i32
    %dma_start3A_21 = arith.constant 0 : i32
    %dma_start3A_22 = tpu.memref_slice %arg5[%dma_start3A, %dma_start3A_21] : memref<3x40xi32, #tpu.memory_space<vmem>> -> memref<1x40xi32, #tpu.memory_space<vmem>>
    %dma_start3A_23 = tpu.memref_squeeze %dma_start3A_22 : memref<1x40xi32, #tpu.memory_space<vmem>> -> memref<40xi32, #tpu.memory_space<vmem>>
    %dma_start3A_24 = tpu.memref_slice %arg2[%add3A_19] : memref<160000xi32, #tpu.memory_space<hbm>> -> memref<40xi32, #tpu.memory_space<hbm>>
    %dma_start3A_25 = tpu.memref_slice %arg8[%dma_start3A_20] : memref<3x!tpu.dma_semaphore, #tpu.memory_space<semaphore_mem>> -> memref<1x!tpu.dma_semaphore, #tpu.memory_space<semaphore_mem>>
    %dma_start3A_26 = tpu.memref_squeeze %dma_start3A_25 : memref<1x!tpu.dma_semaphore, #tpu.memory_space<semaphore_mem>> -> memref<!tpu.dma_semaphore, #tpu.memory_space<semaphore_mem>>
    %dma_start3A_27 = arith.constant 0 : i32
    %dma_start3A_28 = tpu.memref_slice %arg5[%dma_start3A, %dma_start3A_27] : memref<3x40xi32, #tpu.memory_space<vmem>> -> memref<1x40xi32, #tpu.memory_space<vmem>>
    %dma_start3A_29 = tpu.memref_squeeze %dma_start3A_28 : memref<1x40xi32, #tpu.memory_space<vmem>> -> memref<40xi32, #tpu.memory_space<vmem>>
    %dma_start3A_30 = tpu.memref_slice %arg2[%add3A_19] : memref<160000xi32, #tpu.memory_space<hbm>> -> memref<40xi32, #tpu.memory_space<hbm>>
    tpu.enqueue_dma source(%dma_start3A_30 : memref<40xi32, #tpu.memory_space<hbm>>) target(%dma_start3A_29 : memref<40xi32, #tpu.memory_space<vmem>>) target_semaphore(%dma_start3A_26 : memref<!tpu.dma_semaphore, #tpu.memory_space<semaphore_mem>>)
    %add3A_31 = arith.constant 40 : i32
    %add3A_32 = arith.addi %mul3A_17, %add3A_31 : i32
    %dma_start3A_33 = arith.constant 1 : i32
    %dma_start3A_34 = arith.constant 1 : i32
    %dma_start3A_35 = arith.constant 0 : i32
    %dma_start3A_36 = tpu.memref_slice %arg5[%dma_start3A_33, %dma_start3A_35] : memref<3x40xi32, #tpu.memory_space<vmem>> -> memref<1x40xi32, #tpu.memory_space<vmem>>
    %dma_start3A_37 = tpu.memref_squeeze %dma_start3A_36 : memref<1x40xi32, #tpu.memory_space<vmem>> -> memref<40xi32, #tpu.memory_space<vmem>>
    %dma_start3A_38 = tpu.memref_slice %arg2[%add3A_32] : memref<160000xi32, #tpu.memory_space<hbm>> -> memref<40xi32, #tpu.memory_space<hbm>>
    %dma_start3A_39 = tpu.memref_slice %arg8[%dma_start3A_34] : memref<3x!tpu.dma_semaphore, #tpu.memory_space<semaphore_mem>> -> memref<1x!tpu.dma_semaphore, #tpu.memory_space<semaphore_mem>>
    %dma_start3A_40 = tpu.memref_squeeze %dma_start3A_39 : memref<1x!tpu.dma_semaphore, #tpu.memory_space<semaphore_mem>> -> memref<!tpu.dma_semaphore, #tpu.memory_space<semaphore_mem>>
    %dma_start3A_41 = arith.constant 0 : i32
    %dma_start3A_42 = tpu.memref_slice %arg5[%dma_start3A_33, %dma_start3A_41] : memref<3x40xi32, #tpu.memory_space<vmem>> -> memref<1x40xi32, #tpu.memory_space<vmem>>
    %dma_start3A_43 = tpu.memref_squeeze %dma_start3A_42 : memref<1x40xi32, #tpu.memory_space<vmem>> -> memref<40xi32, #tpu.memory_space<vmem>>
    %dma_start3A_44 = tpu.memref_slice %arg2[%add3A_32] : memref<160000xi32, #tpu.memory_space<hbm>> -> memref<40xi32, #tpu.memory_space<hbm>>
    tpu.enqueue_dma source(%dma_start3A_44 : memref<40xi32, #tpu.memory_space<hbm>>) target(%dma_start3A_43 : memref<40xi32, #tpu.memory_space<vmem>>) target_semaphore(%dma_start3A_40 : memref<!tpu.dma_semaphore, #tpu.memory_space<semaphore_mem>>)
    %scan3A_45 = arith.constant 0 : i32
    %scan3A_46 = arith.constant 125 : i32
    %scan3A_47 = arith.addi %scan3A_45, %scan3A_46 : i32
    %scan3A_48 = arith.constant 1 : i32
    scf.for %scan3A_61 = %scan3A_45 to %scan3A_47 step %scan3A_48  : i32 {
      %rem3A = arith.constant 3 : i32
      %rem3A_62 = arith.remsi %scan3A_61, %rem3A : i32
      %add3A_63 = arith.constant 2 : i32
      %add3A_64 = arith.addi %scan3A_61, %add3A_63 : i32
      %rem3A_65 = arith.constant 3 : i32
      %rem3A_66 = arith.remsi %add3A_64, %rem3A_65 : i32
      %add3A_67 = arith.constant 2 : i32
      %add3A_68 = arith.addi %scan3A_61, %add3A_67 : i32
      %lt3A_69 = arith.constant 125 : i32
      %lt3A_70 = arith.cmpi slt, %add3A_68, %lt3A_69 : i32
      %convert_element_type3A_71 = arith.extui %lt3A_70 : i1 to i32
      %cond3A_72 = arith.constant 0 : i32
      %cond3A_73 = arith.cmpi ne, %convert_element_type3A_71, %cond3A_72 : i32
      scf.if %cond3A_73 {
        %add3A_86 = arith.constant 2 : i32
        %add3A_87 = arith.addi %scan3A_61, %add3A_86 : i32
        %mul3A_88 = arith.constant 40 : i32
        %mul3A_89 = arith.muli %add3A_87, %mul3A_88 : i32
        %add3A_90 = arith.addi %mul3A_17, %mul3A_89 : i32
        %dma_start3A_91 = arith.constant 0 : i32
        %dma_start3A_92 = tpu.memref_slice %arg5[%rem3A_66, %dma_start3A_91] : memref<3x40xi32, #tpu.memory_space<vmem>> -> memref<1x40xi32, #tpu.memory_space<vmem>>
        %dma_start3A_93 = tpu.memref_squeeze %dma_start3A_92 : memref<1x40xi32, #tpu.memory_space<vmem>> -> memref<40xi32, #tpu.memory_space<vmem>>
        %dma_start3A_94 = tpu.memref_slice %arg2[%add3A_90] : memref<160000xi32, #tpu.memory_space<hbm>> -> memref<40xi32, #tpu.memory_space<hbm>>
        %dma_start3A_95 = tpu.memref_slice %arg8[%rem3A_66] : memref<3x!tpu.dma_semaphore, #tpu.memory_space<semaphore_mem>> -> memref<1x!tpu.dma_semaphore, #tpu.memory_space<semaphore_mem>>
        %dma_start3A_96 = tpu.memref_squeeze %dma_start3A_95 : memref<1x!tpu.dma_semaphore, #tpu.memory_space<semaphore_mem>> -> memref<!tpu.dma_semaphore, #tpu.memory_space<semaphore_mem>>
        %dma_start3A_97 = arith.constant 0 : i32
        %dma_start3A_98 = tpu.memref_slice %arg5[%rem3A_66, %dma_start3A_97] : memref<3x40xi32, #tpu.memory_space<vmem>> -> memref<1x40xi32, #tpu.memory_space<vmem>>
        %dma_start3A_99 = tpu.memref_squeeze %dma_start3A_98 : memref<1x40xi32, #tpu.memory_space<vmem>> -> memref<40xi32, #tpu.memory_space<vmem>>
        %dma_start3A_100 = tpu.memref_slice %arg2[%add3A_90] : memref<160000xi32, #tpu.memory_space<hbm>> -> memref<40xi32, #tpu.memory_space<hbm>>
        tpu.enqueue_dma source(%dma_start3A_100 : memref<40xi32, #tpu.memory_space<hbm>>) target(%dma_start3A_99 : memref<40xi32, #tpu.memory_space<vmem>>) target_semaphore(%dma_start3A_96 : memref<!tpu.dma_semaphore, #tpu.memory_space<semaphore_mem>>)
      } else {
      }
      %mul3A_74 = arith.constant 40 : i32
      %mul3A_75 = arith.muli %scan3A_61, %mul3A_74 : i32
      %add3A_76 = arith.addi %mul3A_17, %mul3A_75 : i32
      %dma_wait3A = arith.constant 0 : i32
      %dma_wait3A_77 = tpu.memref_slice %arg5[%rem3A_62, %dma_wait3A] : memref<3x40xi32, #tpu.memory_space<vmem>> -> memref<1x40xi32, #tpu.memory_space<vmem>>
      %dma_wait3A_78 = tpu.memref_squeeze %dma_wait3A_77 : memref<1x40xi32, #tpu.memory_space<vmem>> -> memref<40xi32, #tpu.memory_space<vmem>>
      %dma_wait3A_79 = tpu.memref_slice %arg2[%add3A_76] : memref<160000xi32, #tpu.memory_space<hbm>> -> memref<40xi32, #tpu.memory_space<hbm>>
      %dma_wait3A_80 = tpu.memref_slice %arg8[%rem3A_62] : memref<3x!tpu.dma_semaphore, #tpu.memory_space<semaphore_mem>> -> memref<1x!tpu.dma_semaphore, #tpu.memory_space<semaphore_mem>>
      %dma_wait3A_81 = tpu.memref_squeeze %dma_wait3A_80 : memref<1x!tpu.dma_semaphore, #tpu.memory_space<semaphore_mem>> -> memref<!tpu.dma_semaphore, #tpu.memory_space<semaphore_mem>>
      %dma_wait3A_82 = arith.constant 0 : i32
      %dma_wait3A_83 = tpu.memref_slice %arg5[%rem3A_62, %dma_wait3A_82] : memref<3x40xi32, #tpu.memory_space<vmem>> -> memref<1x40xi32, #tpu.memory_space<vmem>>
      %dma_wait3A_84 = tpu.memref_squeeze %dma_wait3A_83 : memref<1x40xi32, #tpu.memory_space<vmem>> -> memref<40xi32, #tpu.memory_space<vmem>>
      %dma_wait3A_85 = tpu.memref_slice %arg2[%add3A_76] : memref<160000xi32, #tpu.memory_space<hbm>> -> memref<40xi32, #tpu.memory_space<hbm>>
      tpu.wait_dma2 semaphore(%dma_wait3A_81 : memref<!tpu.dma_semaphore, #tpu.memory_space<semaphore_mem>>) src(%dma_wait3A_85 : memref<40xi32, #tpu.memory_space<hbm>>) dst(%dma_wait3A_84 : memref<40xi32, #tpu.memory_space<vmem>>)
      "tpu.region"() ({
        %run_scoped3A = tpu.sem_alloc : memref<!tpu.dma_semaphore, #tpu.memory_space<semaphore_mem>>
        %dma_start3A_86 = arith.constant 0 : i32
        %dma_start3A_87 = tpu.memref_slice %arg5[%rem3A_62, %dma_start3A_86] : memref<3x40xi32, #tpu.memory_space<vmem>> -> memref<1x40xi32, #tpu.memory_space<vmem>>
        %dma_start3A_88 = tpu.memref_squeeze %dma_start3A_87 : memref<1x40xi32, #tpu.memory_space<vmem>> -> memref<40xi32, #tpu.memory_space<vmem>>
        %dma_start3A_89 = arith.constant 0 : i32
        %dma_start3A_90 = arith.constant 0 : i32
        %dma_start3A_91 = tpu.memref_slice %arg7[%dma_start3A_89, %dma_start3A_90] : memref<10000x128xf32, #tpu.memory_space<vmem_shared>> -> memref<10000x128xf32, #tpu.memory_space<vmem_shared>>
        tpu.enqueue_indirect_dma source(%arg4 : memref<40x128xf32, #tpu.memory_space<vmem>>) target(%dma_start3A_91 : memref<10000x128xf32, #tpu.memory_space<vmem_shared>>) offsets(%dma_start3A_88 : memref<40xi32, #tpu.memory_space<vmem>>) semaphore(%run_scoped3A : memref<!tpu.dma_semaphore, #tpu.memory_space<semaphore_mem>>) {add = true}
        %dma_wait3A_92 = arith.constant 0 : i32
        %dma_wait3A_93 = tpu.memref_slice %arg5[%rem3A_62, %dma_wait3A_92] : memref<3x40xi32, #tpu.memory_space<vmem>> -> memref<1x40xi32, #tpu.memory_space<vmem>>
        %dma_wait3A_94 = tpu.memref_squeeze %dma_wait3A_93 : memref<1x40xi32, #tpu.memory_space<vmem>> -> memref<40xi32, #tpu.memory_space<vmem>>
        %dma_wait3A_95 = arith.constant 0 : i32
        %dma_wait3A_96 = arith.constant 0 : i32
        %dma_wait3A_97 = tpu.memref_slice %arg7[%dma_wait3A_95, %dma_wait3A_96] : memref<10000x128xf32, #tpu.memory_space<vmem_shared>> -> memref<10000x128xf32, #tpu.memory_space<vmem_shared>>
        tpu.wait_indirect_dma semaphore(%run_scoped3A : memref<!tpu.dma_semaphore, #tpu.memory_space<semaphore_mem>>) src(%arg4 : memref<40x128xf32, #tpu.memory_space<vmem>>) dst(%dma_wait3A_97 : memref<10000x128xf32, #tpu.memory_space<vmem_shared>>)
        tpu.yield
      }) : () -> ()
    }
    %scan3A_49 = arith.constant 125 : i32
    %barrier3A_50 = arith.constant 0 : index
    tpu.barrier barrier_id(%barrier3A_50)
    %lt3A_51 = arith.constant 15 : i32
    %lt3A_52 = arith.cmpi slt, %arg1, %lt3A_51 : i32
    %convert_element_type3A_53 = arith.extui %lt3A_52 : i1 to i32
    %cond3A_54 = arith.constant 0 : i32
    %cond3A_55 = arith.cmpi ne, %convert_element_type3A_53, %cond3A_54 : i32
    scf.if %cond3A_55 {
      %mul3A_61 = arith.constant 640 : i32
      %mul3A_62 = arith.muli %arg1, %mul3A_61 : i32
      %mul3A_63 = arith.constant 640 : i32
      %mul3A_64 = arith.muli %arg1, %mul3A_63 : i32
      "tpu.region"() ({
        %run_scoped3A = tpu.sem_alloc : memref<!tpu.dma_semaphore, #tpu.memory_space<semaphore_mem>>
        %dma_start3A_65 = arith.constant 0 : i32
        %dma_start3A_66 = tpu.memref_slice %arg3[%arg0, %mul3A_64, %dma_start3A_65] : memref<2x10000x128xf32, #tpu.memory_space<hbm>> -> memref<1x640x128xf32, #tpu.memory_space<hbm>>
        %dma_start3A_67 = tpu.memref_squeeze %dma_start3A_66 : memref<1x640x128xf32, #tpu.memory_space<hbm>> -> memref<640x128xf32, #tpu.memory_space<hbm>>
        %dma_start3A_68 = arith.constant 0 : i32
        %dma_start3A_69 = tpu.memref_slice %arg7[%mul3A_62, %dma_start3A_68] : memref<10000x128xf32, #tpu.memory_space<vmem_shared>> -> memref<640x128xf32, #tpu.memory_space<vmem_shared>>
        tpu.enqueue_dma source(%dma_start3A_69 : memref<640x128xf32, #tpu.memory_space<vmem_shared>>) target(%dma_start3A_67 : memref<640x128xf32, #tpu.memory_space<hbm>>) target_semaphore(%run_scoped3A : memref<!tpu.dma_semaphore, #tpu.memory_space<semaphore_mem>>)
        %dma_wait3A = arith.constant 0 : i32
        %dma_wait3A_70 = tpu.memref_slice %arg3[%arg0, %mul3A_64, %dma_wait3A] : memref<2x10000x128xf32, #tpu.memory_space<hbm>> -> memref<1x640x128xf32, #tpu.memory_space<hbm>>
        %dma_wait3A_71 = tpu.memref_squeeze %dma_wait3A_70 : memref<1x640x128xf32, #tpu.memory_space<hbm>> -> memref<640x128xf32, #tpu.memory_space<hbm>>
        %dma_wait3A_72 = arith.constant 0 : i32
        %dma_wait3A_73 = tpu.memref_slice %arg7[%mul3A_62, %dma_wait3A_72] : memref<10000x128xf32, #tpu.memory_space<vmem_shared>> -> memref<640x128xf32, #tpu.memory_space<vmem_shared>>
        tpu.wait_dma2 semaphore(%run_scoped3A : memref<!tpu.dma_semaphore, #tpu.memory_space<semaphore_mem>>) src(%dma_wait3A_73 : memref<640x128xf32, #tpu.memory_space<vmem_shared>>) dst(%dma_wait3A_71 : memref<640x128xf32, #tpu.memory_space<hbm>>)
        tpu.yield
      }) : () -> ()
    } else {
    }
    %eq3A_56 = arith.constant 15 : i32
    %eq3A_57 = arith.cmpi eq, %arg1, %eq3A_56 : i32
    %convert_element_type3A_58 = arith.extui %eq3A_57 : i1 to i32
    %cond3A_59 = arith.constant 0 : i32
    %cond3A_60 = arith.cmpi ne, %convert_element_type3A_58, %cond3A_59 : i32
    scf.if %cond3A_60 {
      "tpu.region"() ({
        %run_scoped3A = tpu.sem_alloc : memref<!tpu.dma_semaphore, #tpu.memory_space<semaphore_mem>>
        %dma_start3A_61 = arith.constant 9600 : i32
        %dma_start3A_62 = arith.constant 0 : i32
        %dma_start3A_63 = tpu.memref_slice %arg3[%arg0, %dma_start3A_61, %dma_start3A_62] : memref<2x10000x128xf32, #tpu.memory_space<hbm>> -> memref<1x400x128xf32, #tpu.memory_space<hbm>>
        %dma_start3A_64 = tpu.memref_squeeze %dma_start3A_63 : memref<1x400x128xf32, #tpu.memory_space<hbm>> -> memref<400x128xf32, #tpu.memory_space<hbm>>
        %dma_start3A_65 = arith.constant 9600 : i32
        %dma_start3A_66 = arith.constant 0 : i32
        %dma_start3A_67 = tpu.memref_slice %arg7[%dma_start3A_65, %dma_start3A_66] : memref<10000x128xf32, #tpu.memory_space<vmem_shared>> -> memref<400x128xf32, #tpu.memory_space<vmem_shared>>
        tpu.enqueue_dma source(%dma_start3A_67 : memref<400x128xf32, #tpu.memory_space<vmem_shared>>) target(%dma_start3A_64 : memref<400x128xf32, #tpu.memory_space<hbm>>) target_semaphore(%run_scoped3A : memref<!tpu.dma_semaphore, #tpu.memory_space<semaphore_mem>>)
        %dma_wait3A = arith.constant 9600 : i32
        %dma_wait3A_68 = arith.constant 0 : i32
        %dma_wait3A_69 = tpu.memref_slice %arg3[%arg0, %dma_wait3A, %dma_wait3A_68] : memref<2x10000x128xf32, #tpu.memory_space<hbm>> -> memref<1x400x128xf32, #tpu.memory_space<hbm>>
        %dma_wait3A_70 = tpu.memref_squeeze %dma_wait3A_69 : memref<1x400x128xf32, #tpu.memory_space<hbm>> -> memref<400x128xf32, #tpu.memory_space<hbm>>
        %dma_wait3A_71 = arith.constant 9600 : i32
        %dma_wait3A_72 = arith.constant 0 : i32
        %dma_wait3A_73 = tpu.memref_slice %arg7[%dma_wait3A_71, %dma_wait3A_72] : memref<10000x128xf32, #tpu.memory_space<vmem_shared>> -> memref<400x128xf32, #tpu.memory_space<vmem_shared>>
        tpu.wait_dma2 semaphore(%run_scoped3A : memref<!tpu.dma_semaphore, #tpu.memory_space<semaphore_mem>>) src(%dma_wait3A_73 : memref<400x128xf32, #tpu.memory_space<vmem_shared>>) dst(%dma_wait3A_70 : memref<400x128xf32, #tpu.memory_space<hbm>>)
        tpu.yield
      }) : () -> ()
    } else {
    }
    return
  }
}

#map = affine_map<(d0, d1) -> (0, 0)>
#map1 = affine_map<(d0, d1) -> (0)>
#map2 = affine_map<(d0, d1) -> (0, 0, 0)>
module attributes {stable_mosaic.version = 14 : i64} {
  func.func @agg_kernel(%arg0: i32, %arg1: i32, %arg2: memref<20000x128xf32, #tpu.memory_space<hbm>>, %arg3: memref<160000xi32, #tpu.memory_space<hbm>>, %arg4: memref<160000xi32, #tpu.memory_space<hbm>>, %arg5: memref<2x10000x128xf32, #tpu.memory_space<hbm>>, %arg6: memref<4x80xi32, #tpu.memory_space<vmem>>, %arg7: memref<4x80xi32, #tpu.memory_space<vmem>>, %arg8: memref<4x80x128xf32, #tpu.memory_space<vmem>>, %arg9: memref<10000x128xf32, #tpu.memory_space<vmem_shared>>, %arg10: memref<4x!tpu.dma_semaphore, #tpu.memory_space<semaphore_mem>>, %arg11: memref<4x!tpu.dma_semaphore, #tpu.memory_space<semaphore_mem>>) attributes {dimension_semantics = [#tpu.dimension_semantics<core_parallel>, #tpu.dimension_semantics<subcore_parallel>], iteration_bounds = array<i64: 2, 16>, scalar_prefetch = 0 : i64, scratch_operands = 6 : i64, tpu.core_type = #tpu.core_type<sc_vector_subcore>, window_params = [{transform_indices = #map}, {transform_indices = #map1}, {transform_indices = #map1}, {transform_indices = #map2}]} {
    %lt3A = arith.constant 15 : i32
    %lt3A_0 = arith.cmpi slt, %arg1, %lt3A : i32
    %convert_element_type3A = arith.extui %lt3A_0 : i1 to i32
    %cond3A = arith.constant 0 : i32
    %cond3A_1 = arith.cmpi ne, %convert_element_type3A, %cond3A : i32
    scf.if %cond3A_1 {
      %mul3A_309 = arith.constant 10000 : i32
      %mul3A_310 = arith.muli %arg0, %mul3A_309 : i32
      %mul3A_311 = arith.constant 640 : i32
      %mul3A_312 = arith.muli %arg1, %mul3A_311 : i32
      %add3A_313 = arith.addi %mul3A_310, %mul3A_312 : i32
      %mul3A_314 = arith.constant 640 : i32
      %mul3A_315 = arith.muli %arg1, %mul3A_314 : i32
      "tpu.region"() ({
        %run_scoped3A = tpu.sem_alloc : memref<!tpu.dma_semaphore, #tpu.memory_space<semaphore_mem>>
        %dma_start3A_316 = arith.constant 0 : i32
        %dma_start3A_317 = tpu.memref_slice %arg9[%mul3A_315, %dma_start3A_316] : memref<10000x128xf32, #tpu.memory_space<vmem_shared>> -> memref<640x128xf32, #tpu.memory_space<vmem_shared>>
        %dma_start3A_318 = arith.constant 0 : i32
        %dma_start3A_319 = tpu.memref_slice %arg2[%add3A_313, %dma_start3A_318] : memref<20000x128xf32, #tpu.memory_space<hbm>> -> memref<640x128xf32, #tpu.memory_space<hbm>>
        tpu.enqueue_dma source(%dma_start3A_319 : memref<640x128xf32, #tpu.memory_space<hbm>>) target(%dma_start3A_317 : memref<640x128xf32, #tpu.memory_space<vmem_shared>>) target_semaphore(%run_scoped3A : memref<!tpu.dma_semaphore, #tpu.memory_space<semaphore_mem>>)
        %dma_wait3A_320 = arith.constant 0 : i32
        %dma_wait3A_321 = tpu.memref_slice %arg9[%mul3A_315, %dma_wait3A_320] : memref<10000x128xf32, #tpu.memory_space<vmem_shared>> -> memref<640x128xf32, #tpu.memory_space<vmem_shared>>
        %dma_wait3A_322 = arith.constant 0 : i32
        %dma_wait3A_323 = tpu.memref_slice %arg2[%add3A_313, %dma_wait3A_322] : memref<20000x128xf32, #tpu.memory_space<hbm>> -> memref<640x128xf32, #tpu.memory_space<hbm>>
        tpu.wait_dma2 semaphore(%run_scoped3A : memref<!tpu.dma_semaphore, #tpu.memory_space<semaphore_mem>>) src(%dma_wait3A_323 : memref<640x128xf32, #tpu.memory_space<hbm>>) dst(%dma_wait3A_321 : memref<640x128xf32, #tpu.memory_space<vmem_shared>>)
        tpu.yield
      }) : () -> ()
    } else {
    }
    %eq3A = arith.constant 15 : i32
    %eq3A_2 = arith.cmpi eq, %arg1, %eq3A : i32
    %convert_element_type3A_3 = arith.extui %eq3A_2 : i1 to i32
    %cond3A_4 = arith.constant 0 : i32
    %cond3A_5 = arith.cmpi ne, %convert_element_type3A_3, %cond3A_4 : i32
    scf.if %cond3A_5 {
      %mul3A_309 = arith.constant 10000 : i32
      %mul3A_310 = arith.muli %arg0, %mul3A_309 : i32
      %add3A_311 = arith.constant 9600 : i32
      %add3A_312 = arith.addi %mul3A_310, %add3A_311 : i32
      "tpu.region"() ({
        %run_scoped3A = tpu.sem_alloc : memref<!tpu.dma_semaphore, #tpu.memory_space<semaphore_mem>>
        %dma_start3A_313 = arith.constant 9600 : i32
        %dma_start3A_314 = arith.constant 0 : i32
        %dma_start3A_315 = tpu.memref_slice %arg9[%dma_start3A_313, %dma_start3A_314] : memref<10000x128xf32, #tpu.memory_space<vmem_shared>> -> memref<400x128xf32, #tpu.memory_space<vmem_shared>>
        %dma_start3A_316 = arith.constant 0 : i32
        %dma_start3A_317 = tpu.memref_slice %arg2[%add3A_312, %dma_start3A_316] : memref<20000x128xf32, #tpu.memory_space<hbm>> -> memref<400x128xf32, #tpu.memory_space<hbm>>
        tpu.enqueue_dma source(%dma_start3A_317 : memref<400x128xf32, #tpu.memory_space<hbm>>) target(%dma_start3A_315 : memref<400x128xf32, #tpu.memory_space<vmem_shared>>) target_semaphore(%run_scoped3A : memref<!tpu.dma_semaphore, #tpu.memory_space<semaphore_mem>>)
        %dma_wait3A_318 = arith.constant 9600 : i32
        %dma_wait3A_319 = arith.constant 0 : i32
        %dma_wait3A_320 = tpu.memref_slice %arg9[%dma_wait3A_318, %dma_wait3A_319] : memref<10000x128xf32, #tpu.memory_space<vmem_shared>> -> memref<400x128xf32, #tpu.memory_space<vmem_shared>>
        %dma_wait3A_321 = arith.constant 0 : i32
        %dma_wait3A_322 = tpu.memref_slice %arg2[%add3A_312, %dma_wait3A_321] : memref<20000x128xf32, #tpu.memory_space<hbm>> -> memref<400x128xf32, #tpu.memory_space<hbm>>
        tpu.wait_dma2 semaphore(%run_scoped3A : memref<!tpu.dma_semaphore, #tpu.memory_space<semaphore_mem>>) src(%dma_wait3A_322 : memref<400x128xf32, #tpu.memory_space<hbm>>) dst(%dma_wait3A_320 : memref<400x128xf32, #tpu.memory_space<vmem_shared>>)
        tpu.yield
      }) : () -> ()
    } else {
    }
    %barrier3A = arith.constant 0 : index
    tpu.barrier barrier_id(%barrier3A)
    %mul3A = arith.constant 10000 : i32
    %mul3A_6 = arith.muli %arg1, %mul3A : i32
    %mul3A_7 = arith.constant 10000 : i32
    %mul3A_8 = arith.muli %arg0, %mul3A_7 : i32
    %broadcast_in_dim3A = vector.broadcast %mul3A_8 : i32 to vector<16xi32>
    %add3A = arith.constant 0 : i32
    %add3A_9 = arith.addi %mul3A_6, %add3A : i32
    %dma_start3A = arith.constant 0 : i32
    %dma_start3A_10 = arith.constant 0 : i32
    %dma_start3A_11 = arith.constant 0 : i32
    %dma_start3A_12 = tpu.memref_slice %arg6[%dma_start3A, %dma_start3A_11] : memref<4x80xi32, #tpu.memory_space<vmem>> -> memref<1x80xi32, #tpu.memory_space<vmem>>
    %dma_start3A_13 = tpu.memref_squeeze %dma_start3A_12 : memref<1x80xi32, #tpu.memory_space<vmem>> -> memref<80xi32, #tpu.memory_space<vmem>>
    %dma_start3A_14 = tpu.memref_slice %arg3[%add3A_9] : memref<160000xi32, #tpu.memory_space<hbm>> -> memref<80xi32, #tpu.memory_space<hbm>>
    %dma_start3A_15 = tpu.memref_slice %arg11[%dma_start3A_10] : memref<4x!tpu.dma_semaphore, #tpu.memory_space<semaphore_mem>> -> memref<1x!tpu.dma_semaphore, #tpu.memory_space<semaphore_mem>>
    %dma_start3A_16 = tpu.memref_squeeze %dma_start3A_15 : memref<1x!tpu.dma_semaphore, #tpu.memory_space<semaphore_mem>> -> memref<!tpu.dma_semaphore, #tpu.memory_space<semaphore_mem>>
    %dma_start3A_17 = arith.constant 0 : i32
    %dma_start3A_18 = tpu.memref_slice %arg6[%dma_start3A, %dma_start3A_17] : memref<4x80xi32, #tpu.memory_space<vmem>> -> memref<1x80xi32, #tpu.memory_space<vmem>>
    %dma_start3A_19 = tpu.memref_squeeze %dma_start3A_18 : memref<1x80xi32, #tpu.memory_space<vmem>> -> memref<80xi32, #tpu.memory_space<vmem>>
    %dma_start3A_20 = tpu.memref_slice %arg3[%add3A_9] : memref<160000xi32, #tpu.memory_space<hbm>> -> memref<80xi32, #tpu.memory_space<hbm>>
    tpu.enqueue_dma source(%dma_start3A_20 : memref<80xi32, #tpu.memory_space<hbm>>) target(%dma_start3A_19 : memref<80xi32, #tpu.memory_space<vmem>>) target_semaphore(%dma_start3A_16 : memref<!tpu.dma_semaphore, #tpu.memory_space<semaphore_mem>>)
    %add3A_21 = arith.constant 0 : i32
    %add3A_22 = arith.addi %mul3A_6, %add3A_21 : i32
    %dma_start3A_23 = arith.constant 0 : i32
    %dma_start3A_24 = arith.constant 0 : i32
    %dma_start3A_25 = arith.constant 0 : i32
    %dma_start3A_26 = tpu.memref_slice %arg7[%dma_start3A_23, %dma_start3A_25] : memref<4x80xi32, #tpu.memory_space<vmem>> -> memref<1x80xi32, #tpu.memory_space<vmem>>
    %dma_start3A_27 = tpu.memref_squeeze %dma_start3A_26 : memref<1x80xi32, #tpu.memory_space<vmem>> -> memref<80xi32, #tpu.memory_space<vmem>>
    %dma_start3A_28 = tpu.memref_slice %arg4[%add3A_22] : memref<160000xi32, #tpu.memory_space<hbm>> -> memref<80xi32, #tpu.memory_space<hbm>>
    %dma_start3A_29 = tpu.memref_slice %arg11[%dma_start3A_24] : memref<4x!tpu.dma_semaphore, #tpu.memory_space<semaphore_mem>> -> memref<1x!tpu.dma_semaphore, #tpu.memory_space<semaphore_mem>>
    %dma_start3A_30 = tpu.memref_squeeze %dma_start3A_29 : memref<1x!tpu.dma_semaphore, #tpu.memory_space<semaphore_mem>> -> memref<!tpu.dma_semaphore, #tpu.memory_space<semaphore_mem>>
    %dma_start3A_31 = arith.constant 0 : i32
    %dma_start3A_32 = tpu.memref_slice %arg7[%dma_start3A_23, %dma_start3A_31] : memref<4x80xi32, #tpu.memory_space<vmem>> -> memref<1x80xi32, #tpu.memory_space<vmem>>
    %dma_start3A_33 = tpu.memref_squeeze %dma_start3A_32 : memref<1x80xi32, #tpu.memory_space<vmem>> -> memref<80xi32, #tpu.memory_space<vmem>>
    %dma_start3A_34 = tpu.memref_slice %arg4[%add3A_22] : memref<160000xi32, #tpu.memory_space<hbm>> -> memref<80xi32, #tpu.memory_space<hbm>>
    tpu.enqueue_dma source(%dma_start3A_34 : memref<80xi32, #tpu.memory_space<hbm>>) target(%dma_start3A_33 : memref<80xi32, #tpu.memory_space<vmem>>) target_semaphore(%dma_start3A_30 : memref<!tpu.dma_semaphore, #tpu.memory_space<semaphore_mem>>)
    %add3A_35 = arith.constant 80 : i32
    %add3A_36 = arith.addi %mul3A_6, %add3A_35 : i32
    %dma_start3A_37 = arith.constant 1 : i32
    %dma_start3A_38 = arith.constant 1 : i32
    %dma_start3A_39 = arith.constant 0 : i32
    %dma_start3A_40 = tpu.memref_slice %arg6[%dma_start3A_37, %dma_start3A_39] : memref<4x80xi32, #tpu.memory_space<vmem>> -> memref<1x80xi32, #tpu.memory_space<vmem>>
    %dma_start3A_41 = tpu.memref_squeeze %dma_start3A_40 : memref<1x80xi32, #tpu.memory_space<vmem>> -> memref<80xi32, #tpu.memory_space<vmem>>
    %dma_start3A_42 = tpu.memref_slice %arg3[%add3A_36] : memref<160000xi32, #tpu.memory_space<hbm>> -> memref<80xi32, #tpu.memory_space<hbm>>
    %dma_start3A_43 = tpu.memref_slice %arg11[%dma_start3A_38] : memref<4x!tpu.dma_semaphore, #tpu.memory_space<semaphore_mem>> -> memref<1x!tpu.dma_semaphore, #tpu.memory_space<semaphore_mem>>
    %dma_start3A_44 = tpu.memref_squeeze %dma_start3A_43 : memref<1x!tpu.dma_semaphore, #tpu.memory_space<semaphore_mem>> -> memref<!tpu.dma_semaphore, #tpu.memory_space<semaphore_mem>>
    %dma_start3A_45 = arith.constant 0 : i32
    %dma_start3A_46 = tpu.memref_slice %arg6[%dma_start3A_37, %dma_start3A_45] : memref<4x80xi32, #tpu.memory_space<vmem>> -> memref<1x80xi32, #tpu.memory_space<vmem>>
    %dma_start3A_47 = tpu.memref_squeeze %dma_start3A_46 : memref<1x80xi32, #tpu.memory_space<vmem>> -> memref<80xi32, #tpu.memory_space<vmem>>
    %dma_start3A_48 = tpu.memref_slice %arg3[%add3A_36] : memref<160000xi32, #tpu.memory_space<hbm>> -> memref<80xi32, #tpu.memory_space<hbm>>
    tpu.enqueue_dma source(%dma_start3A_48 : memref<80xi32, #tpu.memory_space<hbm>>) target(%dma_start3A_47 : memref<80xi32, #tpu.memory_space<vmem>>) target_semaphore(%dma_start3A_44 : memref<!tpu.dma_semaphore, #tpu.memory_space<semaphore_mem>>)
    %add3A_49 = arith.constant 80 : i32
    %add3A_50 = arith.addi %mul3A_6, %add3A_49 : i32
    %dma_start3A_51 = arith.constant 1 : i32
    %dma_start3A_52 = arith.constant 1 : i32
    %dma_start3A_53 = arith.constant 0 : i32
    %dma_start3A_54 = tpu.memref_slice %arg7[%dma_start3A_51, %dma_start3A_53] : memref<4x80xi32, #tpu.memory_space<vmem>> -> memref<1x80xi32, #tpu.memory_space<vmem>>
    %dma_start3A_55 = tpu.memref_squeeze %dma_start3A_54 : memref<1x80xi32, #tpu.memory_space<vmem>> -> memref<80xi32, #tpu.memory_space<vmem>>
    %dma_start3A_56 = tpu.memref_slice %arg4[%add3A_50] : memref<160000xi32, #tpu.memory_space<hbm>> -> memref<80xi32, #tpu.memory_space<hbm>>
    %dma_start3A_57 = tpu.memref_slice %arg11[%dma_start3A_52] : memref<4x!tpu.dma_semaphore, #tpu.memory_space<semaphore_mem>> -> memref<1x!tpu.dma_semaphore, #tpu.memory_space<semaphore_mem>>
    %dma_start3A_58 = tpu.memref_squeeze %dma_start3A_57 : memref<1x!tpu.dma_semaphore, #tpu.memory_space<semaphore_mem>> -> memref<!tpu.dma_semaphore, #tpu.memory_space<semaphore_mem>>
    %dma_start3A_59 = arith.constant 0 : i32
    %dma_start3A_60 = tpu.memref_slice %arg7[%dma_start3A_51, %dma_start3A_59] : memref<4x80xi32, #tpu.memory_space<vmem>> -> memref<1x80xi32, #tpu.memory_space<vmem>>
    %dma_start3A_61 = tpu.memref_squeeze %dma_start3A_60 : memref<1x80xi32, #tpu.memory_space<vmem>> -> memref<80xi32, #tpu.memory_space<vmem>>
    %dma_start3A_62 = tpu.memref_slice %arg4[%add3A_50] : memref<160000xi32, #tpu.memory_space<hbm>> -> memref<80xi32, #tpu.memory_space<hbm>>
    tpu.enqueue_dma source(%dma_start3A_62 : memref<80xi32, #tpu.memory_space<hbm>>) target(%dma_start3A_61 : memref<80xi32, #tpu.memory_space<vmem>>) target_semaphore(%dma_start3A_58 : memref<!tpu.dma_semaphore, #tpu.memory_space<semaphore_mem>>)
    %add3A_63 = arith.constant 160 : i32
    %add3A_64 = arith.addi %mul3A_6, %add3A_63 : i32
    %dma_start3A_65 = arith.constant 2 : i32
    %dma_start3A_66 = arith.constant 2 : i32
    %dma_start3A_67 = arith.constant 0 : i32
    %dma_start3A_68 = tpu.memref_slice %arg6[%dma_start3A_65, %dma_start3A_67] : memref<4x80xi32, #tpu.memory_space<vmem>> -> memref<1x80xi32, #tpu.memory_space<vmem>>
    %dma_start3A_69 = tpu.memref_squeeze %dma_start3A_68 : memref<1x80xi32, #tpu.memory_space<vmem>> -> memref<80xi32, #tpu.memory_space<vmem>>
    %dma_start3A_70 = tpu.memref_slice %arg3[%add3A_64] : memref<160000xi32, #tpu.memory_space<hbm>> -> memref<80xi32, #tpu.memory_space<hbm>>
    %dma_start3A_71 = tpu.memref_slice %arg11[%dma_start3A_66] : memref<4x!tpu.dma_semaphore, #tpu.memory_space<semaphore_mem>> -> memref<1x!tpu.dma_semaphore, #tpu.memory_space<semaphore_mem>>
    %dma_start3A_72 = tpu.memref_squeeze %dma_start3A_71 : memref<1x!tpu.dma_semaphore, #tpu.memory_space<semaphore_mem>> -> memref<!tpu.dma_semaphore, #tpu.memory_space<semaphore_mem>>
    %dma_start3A_73 = arith.constant 0 : i32
    %dma_start3A_74 = tpu.memref_slice %arg6[%dma_start3A_65, %dma_start3A_73] : memref<4x80xi32, #tpu.memory_space<vmem>> -> memref<1x80xi32, #tpu.memory_space<vmem>>
    %dma_start3A_75 = tpu.memref_squeeze %dma_start3A_74 : memref<1x80xi32, #tpu.memory_space<vmem>> -> memref<80xi32, #tpu.memory_space<vmem>>
    %dma_start3A_76 = tpu.memref_slice %arg3[%add3A_64] : memref<160000xi32, #tpu.memory_space<hbm>> -> memref<80xi32, #tpu.memory_space<hbm>>
    tpu.enqueue_dma source(%dma_start3A_76 : memref<80xi32, #tpu.memory_space<hbm>>) target(%dma_start3A_75 : memref<80xi32, #tpu.memory_space<vmem>>) target_semaphore(%dma_start3A_72 : memref<!tpu.dma_semaphore, #tpu.memory_space<semaphore_mem>>)
    %add3A_77 = arith.constant 160 : i32
    %add3A_78 = arith.addi %mul3A_6, %add3A_77 : i32
    %dma_start3A_79 = arith.constant 2 : i32
    %dma_start3A_80 = arith.constant 2 : i32
    %dma_start3A_81 = arith.constant 0 : i32
    %dma_start3A_82 = tpu.memref_slice %arg7[%dma_start3A_79, %dma_start3A_81] : memref<4x80xi32, #tpu.memory_space<vmem>> -> memref<1x80xi32, #tpu.memory_space<vmem>>
    %dma_start3A_83 = tpu.memref_squeeze %dma_start3A_82 : memref<1x80xi32, #tpu.memory_space<vmem>> -> memref<80xi32, #tpu.memory_space<vmem>>
    %dma_start3A_84 = tpu.memref_slice %arg4[%add3A_78] : memref<160000xi32, #tpu.memory_space<hbm>> -> memref<80xi32, #tpu.memory_space<hbm>>
    %dma_start3A_85 = tpu.memref_slice %arg11[%dma_start3A_80] : memref<4x!tpu.dma_semaphore, #tpu.memory_space<semaphore_mem>> -> memref<1x!tpu.dma_semaphore, #tpu.memory_space<semaphore_mem>>
    %dma_start3A_86 = tpu.memref_squeeze %dma_start3A_85 : memref<1x!tpu.dma_semaphore, #tpu.memory_space<semaphore_mem>> -> memref<!tpu.dma_semaphore, #tpu.memory_space<semaphore_mem>>
    %dma_start3A_87 = arith.constant 0 : i32
    %dma_start3A_88 = tpu.memref_slice %arg7[%dma_start3A_79, %dma_start3A_87] : memref<4x80xi32, #tpu.memory_space<vmem>> -> memref<1x80xi32, #tpu.memory_space<vmem>>
    %dma_start3A_89 = tpu.memref_squeeze %dma_start3A_88 : memref<1x80xi32, #tpu.memory_space<vmem>> -> memref<80xi32, #tpu.memory_space<vmem>>
    %dma_start3A_90 = tpu.memref_slice %arg4[%add3A_78] : memref<160000xi32, #tpu.memory_space<hbm>> -> memref<80xi32, #tpu.memory_space<hbm>>
    tpu.enqueue_dma source(%dma_start3A_90 : memref<80xi32, #tpu.memory_space<hbm>>) target(%dma_start3A_89 : memref<80xi32, #tpu.memory_space<vmem>>) target_semaphore(%dma_start3A_86 : memref<!tpu.dma_semaphore, #tpu.memory_space<semaphore_mem>>)
    %add3A_91 = arith.constant 0 : i32
    %add3A_92 = arith.addi %mul3A_6, %add3A_91 : i32
    %dma_wait3A = arith.constant 0 : i32
    %dma_wait3A_93 = arith.constant 0 : i32
    %dma_wait3A_94 = arith.constant 0 : i32
    %dma_wait3A_95 = tpu.memref_slice %arg6[%dma_wait3A, %dma_wait3A_94] : memref<4x80xi32, #tpu.memory_space<vmem>> -> memref<1x80xi32, #tpu.memory_space<vmem>>
    %dma_wait3A_96 = tpu.memref_squeeze %dma_wait3A_95 : memref<1x80xi32, #tpu.memory_space<vmem>> -> memref<80xi32, #tpu.memory_space<vmem>>
    %dma_wait3A_97 = tpu.memref_slice %arg3[%add3A_92] : memref<160000xi32, #tpu.memory_space<hbm>> -> memref<80xi32, #tpu.memory_space<hbm>>
    %dma_wait3A_98 = tpu.memref_slice %arg11[%dma_wait3A_93] : memref<4x!tpu.dma_semaphore, #tpu.memory_space<semaphore_mem>> -> memref<1x!tpu.dma_semaphore, #tpu.memory_space<semaphore_mem>>
    %dma_wait3A_99 = tpu.memref_squeeze %dma_wait3A_98 : memref<1x!tpu.dma_semaphore, #tpu.memory_space<semaphore_mem>> -> memref<!tpu.dma_semaphore, #tpu.memory_space<semaphore_mem>>
    %dma_wait3A_100 = arith.constant 0 : i32
    %dma_wait3A_101 = tpu.memref_slice %arg6[%dma_wait3A, %dma_wait3A_100] : memref<4x80xi32, #tpu.memory_space<vmem>> -> memref<1x80xi32, #tpu.memory_space<vmem>>
    %dma_wait3A_102 = tpu.memref_squeeze %dma_wait3A_101 : memref<1x80xi32, #tpu.memory_space<vmem>> -> memref<80xi32, #tpu.memory_space<vmem>>
    %dma_wait3A_103 = tpu.memref_slice %arg3[%add3A_92] : memref<160000xi32, #tpu.memory_space<hbm>> -> memref<80xi32, #tpu.memory_space<hbm>>
    tpu.wait_dma2 semaphore(%dma_wait3A_99 : memref<!tpu.dma_semaphore, #tpu.memory_space<semaphore_mem>>) src(%dma_wait3A_103 : memref<80xi32, #tpu.memory_space<hbm>>) dst(%dma_wait3A_102 : memref<80xi32, #tpu.memory_space<vmem>>)
    %add3A_104 = arith.constant 0 : i32
    %add3A_105 = arith.addi %mul3A_6, %add3A_104 : i32
    %dma_wait3A_106 = arith.constant 0 : i32
    %dma_wait3A_107 = arith.constant 0 : i32
    %dma_wait3A_108 = arith.constant 0 : i32
    %dma_wait3A_109 = tpu.memref_slice %arg7[%dma_wait3A_106, %dma_wait3A_108] : memref<4x80xi32, #tpu.memory_space<vmem>> -> memref<1x80xi32, #tpu.memory_space<vmem>>
    %dma_wait3A_110 = tpu.memref_squeeze %dma_wait3A_109 : memref<1x80xi32, #tpu.memory_space<vmem>> -> memref<80xi32, #tpu.memory_space<vmem>>
    %dma_wait3A_111 = tpu.memref_slice %arg4[%add3A_105] : memref<160000xi32, #tpu.memory_space<hbm>> -> memref<80xi32, #tpu.memory_space<hbm>>
    %dma_wait3A_112 = tpu.memref_slice %arg11[%dma_wait3A_107] : memref<4x!tpu.dma_semaphore, #tpu.memory_space<semaphore_mem>> -> memref<1x!tpu.dma_semaphore, #tpu.memory_space<semaphore_mem>>
    %dma_wait3A_113 = tpu.memref_squeeze %dma_wait3A_112 : memref<1x!tpu.dma_semaphore, #tpu.memory_space<semaphore_mem>> -> memref<!tpu.dma_semaphore, #tpu.memory_space<semaphore_mem>>
    %dma_wait3A_114 = arith.constant 0 : i32
    %dma_wait3A_115 = tpu.memref_slice %arg7[%dma_wait3A_106, %dma_wait3A_114] : memref<4x80xi32, #tpu.memory_space<vmem>> -> memref<1x80xi32, #tpu.memory_space<vmem>>
    %dma_wait3A_116 = tpu.memref_squeeze %dma_wait3A_115 : memref<1x80xi32, #tpu.memory_space<vmem>> -> memref<80xi32, #tpu.memory_space<vmem>>
    %dma_wait3A_117 = tpu.memref_slice %arg4[%add3A_105] : memref<160000xi32, #tpu.memory_space<hbm>> -> memref<80xi32, #tpu.memory_space<hbm>>
    tpu.wait_dma2 semaphore(%dma_wait3A_113 : memref<!tpu.dma_semaphore, #tpu.memory_space<semaphore_mem>>) src(%dma_wait3A_117 : memref<80xi32, #tpu.memory_space<hbm>>) dst(%dma_wait3A_116 : memref<80xi32, #tpu.memory_space<vmem>>)
    %get3A = arith.constant 0 : i32
    %get3A_118 = arith.index_cast %get3A : i32 to index
    %get3A_119 = arith.constant 0 : index
    %get3A_120 = tpu.vector_load %arg6[%get3A_118, %get3A_119] {strides = array<i32>} : memref<4x80xi32, #tpu.memory_space<vmem>>, vector<1x16xi32>,
    %get3A_121 = vector.shape_cast %get3A_120 : vector<1x16xi32> to vector<16xi32>
    %add3A_122 = arith.addi %get3A_121, %broadcast_in_dim3A : vector<16xi32>
    %swap3A = arith.constant 0 : i32
    %swap3A_123 = arith.index_cast %swap3A : i32 to index
    %swap3A_124 = arith.constant 0 : index
    %swap3A_125 = tpu.vector_load %arg6[%swap3A_123, %swap3A_124] {strides = array<i32>} : memref<4x80xi32, #tpu.memory_space<vmem>>, vector<1x16xi32>,
    %swap3A_126 = vector.shape_cast %swap3A_125 : vector<1x16xi32> to vector<16xi32>
    %swap3A_127 = vector.shape_cast %add3A_122 : vector<16xi32> to vector<1x16xi32>
    tpu.vector_store %arg6[%swap3A_123, %swap3A_124], %swap3A_127 {strides = array<i32>} : memref<4x80xi32, #tpu.memory_space<vmem>>, vector<1x16xi32>,
    %get3A_128 = arith.constant 0 : i32
    %get3A_129 = arith.index_cast %get3A_128 : i32 to index
    %get3A_130 = arith.constant 16 : index
    %get3A_131 = tpu.vector_load %arg6[%get3A_129, %get3A_130] {strides = array<i32>} : memref<4x80xi32, #tpu.memory_space<vmem>>, vector<1x16xi32>,
    %get3A_132 = vector.shape_cast %get3A_131 : vector<1x16xi32> to vector<16xi32>
    %add3A_133 = arith.addi %get3A_132, %broadcast_in_dim3A : vector<16xi32>
    %swap3A_134 = arith.constant 0 : i32
    %swap3A_135 = arith.index_cast %swap3A_134 : i32 to index
    %swap3A_136 = arith.constant 16 : index
    %swap3A_137 = tpu.vector_load %arg6[%swap3A_135, %swap3A_136] {strides = array<i32>} : memref<4x80xi32, #tpu.memory_space<vmem>>, vector<1x16xi32>,
    %swap3A_138 = vector.shape_cast %swap3A_137 : vector<1x16xi32> to vector<16xi32>
    %swap3A_139 = vector.shape_cast %add3A_133 : vector<16xi32> to vector<1x16xi32>
    tpu.vector_store %arg6[%swap3A_135, %swap3A_136], %swap3A_139 {strides = array<i32>} : memref<4x80xi32, #tpu.memory_space<vmem>>, vector<1x16xi32>,
    %get3A_140 = arith.constant 0 : i32
    %get3A_141 = arith.index_cast %get3A_140 : i32 to index
    %get3A_142 = arith.constant 32 : index
    %get3A_143 = tpu.vector_load %arg6[%get3A_141, %get3A_142] {strides = array<i32>} : memref<4x80xi32, #tpu.memory_space<vmem>>, vector<1x16xi32>,
    %get3A_144 = vector.shape_cast %get3A_143 : vector<1x16xi32> to vector<16xi32>
    %add3A_145 = arith.addi %get3A_144, %broadcast_in_dim3A : vector<16xi32>
    %swap3A_146 = arith.constant 0 : i32
    %swap3A_147 = arith.index_cast %swap3A_146 : i32 to index
    %swap3A_148 = arith.constant 32 : index
    %swap3A_149 = tpu.vector_load %arg6[%swap3A_147, %swap3A_148] {strides = array<i32>} : memref<4x80xi32, #tpu.memory_space<vmem>>, vector<1x16xi32>,
    %swap3A_150 = vector.shape_cast %swap3A_149 : vector<1x16xi32> to vector<16xi32>
    %swap3A_151 = vector.shape_cast %add3A_145 : vector<16xi32> to vector<1x16xi32>
    tpu.vector_store %arg6[%swap3A_147, %swap3A_148], %swap3A_151 {strides = array<i32>} : memref<4x80xi32, #tpu.memory_space<vmem>>, vector<1x16xi32>,
    %get3A_152 = arith.constant 0 : i32
    %get3A_153 = arith.index_cast %get3A_152 : i32 to index
    %get3A_154 = arith.constant 48 : index
    %get3A_155 = tpu.vector_load %arg6[%get3A_153, %get3A_154] {strides = array<i32>} : memref<4x80xi32, #tpu.memory_space<vmem>>, vector<1x16xi32>,
    %get3A_156 = vector.shape_cast %get3A_155 : vector<1x16xi32> to vector<16xi32>
    %add3A_157 = arith.addi %get3A_156, %broadcast_in_dim3A : vector<16xi32>
    %swap3A_158 = arith.constant 0 : i32
    %swap3A_159 = arith.index_cast %swap3A_158 : i32 to index
    %swap3A_160 = arith.constant 48 : index
    %swap3A_161 = tpu.vector_load %arg6[%swap3A_159, %swap3A_160] {strides = array<i32>} : memref<4x80xi32, #tpu.memory_space<vmem>>, vector<1x16xi32>,
    %swap3A_162 = vector.shape_cast %swap3A_161 : vector<1x16xi32> to vector<16xi32>
    %swap3A_163 = vector.shape_cast %add3A_157 : vector<16xi32> to vector<1x16xi32>
    tpu.vector_store %arg6[%swap3A_159, %swap3A_160], %swap3A_163 {strides = array<i32>} : memref<4x80xi32, #tpu.memory_space<vmem>>, vector<1x16xi32>,
    %get3A_164 = arith.constant 0 : i32
    %get3A_165 = arith.index_cast %get3A_164 : i32 to index
    %get3A_166 = arith.constant 64 : index
    %get3A_167 = tpu.vector_load %arg6[%get3A_165, %get3A_166] {strides = array<i32>} : memref<4x80xi32, #tpu.memory_space<vmem>>, vector<1x16xi32>,
    %get3A_168 = vector.shape_cast %get3A_167 : vector<1x16xi32> to vector<16xi32>
    %add3A_169 = arith.addi %get3A_168, %broadcast_in_dim3A : vector<16xi32>
    %swap3A_170 = arith.constant 0 : i32
    %swap3A_171 = arith.index_cast %swap3A_170 : i32 to index
    %swap3A_172 = arith.constant 64 : index
    %swap3A_173 = tpu.vector_load %arg6[%swap3A_171, %swap3A_172] {strides = array<i32>} : memref<4x80xi32, #tpu.memory_space<vmem>>, vector<1x16xi32>,
    %swap3A_174 = vector.shape_cast %swap3A_173 : vector<1x16xi32> to vector<16xi32>
    %swap3A_175 = vector.shape_cast %add3A_169 : vector<16xi32> to vector<1x16xi32>
    tpu.vector_store %arg6[%swap3A_171, %swap3A_172], %swap3A_175 {strides = array<i32>} : memref<4x80xi32, #tpu.memory_space<vmem>>, vector<1x16xi32>,
    %dma_start3A_176 = arith.constant 0 : i32
    %dma_start3A_177 = arith.constant 0 : i32
    %dma_start3A_178 = arith.constant 0 : i32
    %dma_start3A_179 = arith.constant 0 : i32
    %dma_start3A_180 = arith.constant 0 : i32
    %dma_start3A_181 = tpu.memref_slice %arg8[%dma_start3A_177, %dma_start3A_179, %dma_start3A_180] : memref<4x80x128xf32, #tpu.memory_space<vmem>> -> memref<1x80x128xf32, #tpu.memory_space<vmem>>
    %dma_start3A_182 = tpu.memref_squeeze %dma_start3A_181 : memref<1x80x128xf32, #tpu.memory_space<vmem>> -> memref<80x128xf32, #tpu.memory_space<vmem>>
    %dma_start3A_183 = arith.constant 0 : i32
    %dma_start3A_184 = tpu.memref_slice %arg6[%dma_start3A_176, %dma_start3A_183] : memref<4x80xi32, #tpu.memory_space<vmem>> -> memref<1x80xi32, #tpu.memory_space<vmem>>
    %dma_start3A_185 = tpu.memref_squeeze %dma_start3A_184 : memref<1x80xi32, #tpu.memory_space<vmem>> -> memref<80xi32, #tpu.memory_space<vmem>>
    %dma_start3A_186 = arith.constant 0 : i32
    %dma_start3A_187 = arith.constant 0 : i32
    %dma_start3A_188 = tpu.memref_slice %arg2[%dma_start3A_186, %dma_start3A_187] : memref<20000x128xf32, #tpu.memory_space<hbm>> -> memref<20000x128xf32, #tpu.memory_space<hbm>>
    %dma_start3A_189 = tpu.memref_slice %arg10[%dma_start3A_178] : memref<4x!tpu.dma_semaphore, #tpu.memory_space<semaphore_mem>> -> memref<1x!tpu.dma_semaphore, #tpu.memory_space<semaphore_mem>>
    %dma_start3A_190 = tpu.memref_squeeze %dma_start3A_189 : memref<1x!tpu.dma_semaphore, #tpu.memory_space<semaphore_mem>> -> memref<!tpu.dma_semaphore, #tpu.memory_space<semaphore_mem>>
    tpu.enqueue_indirect_dma source(%dma_start3A_188 : memref<20000x128xf32, #tpu.memory_space<hbm>>) target(%dma_start3A_182 : memref<80x128xf32, #tpu.memory_space<vmem>>) offsets(%dma_start3A_185 : memref<80xi32, #tpu.memory_space<vmem>>) semaphore(%dma_start3A_190 : memref<!tpu.dma_semaphore, #tpu.memory_space<semaphore_mem>>)
    %add3A_191 = arith.constant 80 : i32
    %add3A_192 = arith.addi %mul3A_6, %add3A_191 : i32
    %dma_wait3A_193 = arith.constant 1 : i32
    %dma_wait3A_194 = arith.constant 1 : i32
    %dma_wait3A_195 = arith.constant 0 : i32
    %dma_wait3A_196 = tpu.memref_slice %arg6[%dma_wait3A_193, %dma_wait3A_195] : memref<4x80xi32, #tpu.memory_space<vmem>> -> memref<1x80xi32, #tpu.memory_space<vmem>>
    %dma_wait3A_197 = tpu.memref_squeeze %dma_wait3A_196 : memref<1x80xi32, #tpu.memory_space<vmem>> -> memref<80xi32, #tpu.memory_space<vmem>>
    %dma_wait3A_198 = tpu.memref_slice %arg3[%add3A_192] : memref<160000xi32, #tpu.memory_space<hbm>> -> memref<80xi32, #tpu.memory_space<hbm>>
    %dma_wait3A_199 = tpu.memref_slice %arg11[%dma_wait3A_194] : memref<4x!tpu.dma_semaphore, #tpu.memory_space<semaphore_mem>> -> memref<1x!tpu.dma_semaphore, #tpu.memory_space<semaphore_mem>>
    %dma_wait3A_200 = tpu.memref_squeeze %dma_wait3A_199 : memref<1x!tpu.dma_semaphore, #tpu.memory_space<semaphore_mem>> -> memref<!tpu.dma_semaphore, #tpu.memory_space<semaphore_mem>>
    %dma_wait3A_201 = arith.constant 0 : i32
    %dma_wait3A_202 = tpu.memref_slice %arg6[%dma_wait3A_193, %dma_wait3A_201] : memref<4x80xi32, #tpu.memory_space<vmem>> -> memref<1x80xi32, #tpu.memory_space<vmem>>
    %dma_wait3A_203 = tpu.memref_squeeze %dma_wait3A_202 : memref<1x80xi32, #tpu.memory_space<vmem>> -> memref<80xi32, #tpu.memory_space<vmem>>
    %dma_wait3A_204 = tpu.memref_slice %arg3[%add3A_192] : memref<160000xi32, #tpu.memory_space<hbm>> -> memref<80xi32, #tpu.memory_space<hbm>>
    tpu.wait_dma2 semaphore(%dma_wait3A_200 : memref<!tpu.dma_semaphore, #tpu.memory_space<semaphore_mem>>) src(%dma_wait3A_204 : memref<80xi32, #tpu.memory_space<hbm>>) dst(%dma_wait3A_203 : memref<80xi32, #tpu.memory_space<vmem>>)
    %add3A_205 = arith.constant 80 : i32
    %add3A_206 = arith.addi %mul3A_6, %add3A_205 : i32
    %dma_wait3A_207 = arith.constant 1 : i32
    %dma_wait3A_208 = arith.constant 1 : i32
    %dma_wait3A_209 = arith.constant 0 : i32
    %dma_wait3A_210 = tpu.memref_slice %arg7[%dma_wait3A_207, %dma_wait3A_209] : memref<4x80xi32, #tpu.memory_space<vmem>> -> memref<1x80xi32, #tpu.memory_space<vmem>>
    %dma_wait3A_211 = tpu.memref_squeeze %dma_wait3A_210 : memref<1x80xi32, #tpu.memory_space<vmem>> -> memref<80xi32, #tpu.memory_space<vmem>>
    %dma_wait3A_212 = tpu.memref_slice %arg4[%add3A_206] : memref<160000xi32, #tpu.memory_space<hbm>> -> memref<80xi32, #tpu.memory_space<hbm>>
    %dma_wait3A_213 = tpu.memref_slice %arg11[%dma_wait3A_208] : memref<4x!tpu.dma_semaphore, #tpu.memory_space<semaphore_mem>> -> memref<1x!tpu.dma_semaphore, #tpu.memory_space<semaphore_mem>>
    %dma_wait3A_214 = tpu.memref_squeeze %dma_wait3A_213 : memref<1x!tpu.dma_semaphore, #tpu.memory_space<semaphore_mem>> -> memref<!tpu.dma_semaphore, #tpu.memory_space<semaphore_mem>>
    %dma_wait3A_215 = arith.constant 0 : i32
    %dma_wait3A_216 = tpu.memref_slice %arg7[%dma_wait3A_207, %dma_wait3A_215] : memref<4x80xi32, #tpu.memory_space<vmem>> -> memref<1x80xi32, #tpu.memory_space<vmem>>
    %dma_wait3A_217 = tpu.memref_squeeze %dma_wait3A_216 : memref<1x80xi32, #tpu.memory_space<vmem>> -> memref<80xi32, #tpu.memory_space<vmem>>
    %dma_wait3A_218 = tpu.memref_slice %arg4[%add3A_206] : memref<160000xi32, #tpu.memory_space<hbm>> -> memref<80xi32, #tpu.memory_space<hbm>>
    tpu.wait_dma2 semaphore(%dma_wait3A_214 : memref<!tpu.dma_semaphore, #tpu.memory_space<semaphore_mem>>) src(%dma_wait3A_218 : memref<80xi32, #tpu.memory_space<hbm>>) dst(%dma_wait3A_217 : memref<80xi32, #tpu.memory_space<vmem>>)
    %get3A_219 = arith.constant 1 : i32
    %get3A_220 = arith.index_cast %get3A_219 : i32 to index
    %get3A_221 = arith.constant 0 : index
    %get3A_222 = tpu.vector_load %arg6[%get3A_220, %get3A_221] {strides = array<i32>} : memref<4x80xi32, #tpu.memory_space<vmem>>, vector<1x16xi32>,
    %get3A_223 = vector.shape_cast %get3A_222 : vector<1x16xi32> to vector<16xi32>
    %add3A_224 = arith.addi %get3A_223, %broadcast_in_dim3A : vector<16xi32>
    %swap3A_225 = arith.constant 1 : i32
    %swap3A_226 = arith.index_cast %swap3A_225 : i32 to index
    %swap3A_227 = arith.constant 0 : index
    %swap3A_228 = tpu.vector_load %arg6[%swap3A_226, %swap3A_227] {strides = array<i32>} : memref<4x80xi32, #tpu.memory_space<vmem>>, vector<1x16xi32>,
    %swap3A_229 = vector.shape_cast %swap3A_228 : vector<1x16xi32> to vector<16xi32>
    %swap3A_230 = vector.shape_cast %add3A_224 : vector<16xi32> to vector<1x16xi32>
    tpu.vector_store %arg6[%swap3A_226, %swap3A_227], %swap3A_230 {strides = array<i32>} : memref<4x80xi32, #tpu.memory_space<vmem>>, vector<1x16xi32>,
    %get3A_231 = arith.constant 1 : i32
    %get3A_232 = arith.index_cast %get3A_231 : i32 to index
    %get3A_233 = arith.constant 16 : index
    %get3A_234 = tpu.vector_load %arg6[%get3A_232, %get3A_233] {strides = array<i32>} : memref<4x80xi32, #tpu.memory_space<vmem>>, vector<1x16xi32>,
    %get3A_235 = vector.shape_cast %get3A_234 : vector<1x16xi32> to vector<16xi32>
    %add3A_236 = arith.addi %get3A_235, %broadcast_in_dim3A : vector<16xi32>
    %swap3A_237 = arith.constant 1 : i32
    %swap3A_238 = arith.index_cast %swap3A_237 : i32 to index
    %swap3A_239 = arith.constant 16 : index
    %swap3A_240 = tpu.vector_load %arg6[%swap3A_238, %swap3A_239] {strides = array<i32>} : memref<4x80xi32, #tpu.memory_space<vmem>>, vector<1x16xi32>,
    %swap3A_241 = vector.shape_cast %swap3A_240 : vector<1x16xi32> to vector<16xi32>
    %swap3A_242 = vector.shape_cast %add3A_236 : vector<16xi32> to vector<1x16xi32>
    tpu.vector_store %arg6[%swap3A_238, %swap3A_239], %swap3A_242 {strides = array<i32>} : memref<4x80xi32, #tpu.memory_space<vmem>>, vector<1x16xi32>,
    %get3A_243 = arith.constant 1 : i32
    %get3A_244 = arith.index_cast %get3A_243 : i32 to index
    %get3A_245 = arith.constant 32 : index
    %get3A_246 = tpu.vector_load %arg6[%get3A_244, %get3A_245] {strides = array<i32>} : memref<4x80xi32, #tpu.memory_space<vmem>>, vector<1x16xi32>,
    %get3A_247 = vector.shape_cast %get3A_246 : vector<1x16xi32> to vector<16xi32>
    %add3A_248 = arith.addi %get3A_247, %broadcast_in_dim3A : vector<16xi32>
    %swap3A_249 = arith.constant 1 : i32
    %swap3A_250 = arith.index_cast %swap3A_249 : i32 to index
    %swap3A_251 = arith.constant 32 : index
    %swap3A_252 = tpu.vector_load %arg6[%swap3A_250, %swap3A_251] {strides = array<i32>} : memref<4x80xi32, #tpu.memory_space<vmem>>, vector<1x16xi32>,
    %swap3A_253 = vector.shape_cast %swap3A_252 : vector<1x16xi32> to vector<16xi32>
    %swap3A_254 = vector.shape_cast %add3A_248 : vector<16xi32> to vector<1x16xi32>
    tpu.vector_store %arg6[%swap3A_250, %swap3A_251], %swap3A_254 {strides = array<i32>} : memref<4x80xi32, #tpu.memory_space<vmem>>, vector<1x16xi32>,
    %get3A_255 = arith.constant 1 : i32
    %get3A_256 = arith.index_cast %get3A_255 : i32 to index
    %get3A_257 = arith.constant 48 : index
    %get3A_258 = tpu.vector_load %arg6[%get3A_256, %get3A_257] {strides = array<i32>} : memref<4x80xi32, #tpu.memory_space<vmem>>, vector<1x16xi32>,
    %get3A_259 = vector.shape_cast %get3A_258 : vector<1x16xi32> to vector<16xi32>
    %add3A_260 = arith.addi %get3A_259, %broadcast_in_dim3A : vector<16xi32>
    %swap3A_261 = arith.constant 1 : i32
    %swap3A_262 = arith.index_cast %swap3A_261 : i32 to index
    %swap3A_263 = arith.constant 48 : index
    %swap3A_264 = tpu.vector_load %arg6[%swap3A_262, %swap3A_263] {strides = array<i32>} : memref<4x80xi32, #tpu.memory_space<vmem>>, vector<1x16xi32>,
    %swap3A_265 = vector.shape_cast %swap3A_264 : vector<1x16xi32> to vector<16xi32>
    %swap3A_266 = vector.shape_cast %add3A_260 : vector<16xi32> to vector<1x16xi32>
    tpu.vector_store %arg6[%swap3A_262, %swap3A_263], %swap3A_266 {strides = array<i32>} : memref<4x80xi32, #tpu.memory_space<vmem>>, vector<1x16xi32>,
    %get3A_267 = arith.constant 1 : i32
    %get3A_268 = arith.index_cast %get3A_267 : i32 to index
    %get3A_269 = arith.constant 64 : index
    %get3A_270 = tpu.vector_load %arg6[%get3A_268, %get3A_269] {strides = array<i32>} : memref<4x80xi32, #tpu.memory_space<vmem>>, vector<1x16xi32>,
    %get3A_271 = vector.shape_cast %get3A_270 : vector<1x16xi32> to vector<16xi32>
    %add3A_272 = arith.addi %get3A_271, %broadcast_in_dim3A : vector<16xi32>
    %swap3A_273 = arith.constant 1 : i32
    %swap3A_274 = arith.index_cast %swap3A_273 : i32 to index
    %swap3A_275 = arith.constant 64 : index
    %swap3A_276 = tpu.vector_load %arg6[%swap3A_274, %swap3A_275] {strides = array<i32>} : memref<4x80xi32, #tpu.memory_space<vmem>>, vector<1x16xi32>,
    %swap3A_277 = vector.shape_cast %swap3A_276 : vector<1x16xi32> to vector<16xi32>
    %swap3A_278 = vector.shape_cast %add3A_272 : vector<16xi32> to vector<1x16xi32>
    tpu.vector_store %arg6[%swap3A_274, %swap3A_275], %swap3A_278 {strides = array<i32>} : memref<4x80xi32, #tpu.memory_space<vmem>>, vector<1x16xi32>,
    %dma_start3A_279 = arith.constant 1 : i32
    %dma_start3A_280 = arith.constant 1 : i32
    %dma_start3A_281 = arith.constant 1 : i32
    %dma_start3A_282 = arith.constant 0 : i32
    %dma_start3A_283 = arith.constant 0 : i32
    %dma_start3A_284 = tpu.memref_slice %arg8[%dma_start3A_280, %dma_start3A_282, %dma_start3A_283] : memref<4x80x128xf32, #tpu.memory_space<vmem>> -> memref<1x80x128xf32, #tpu.memory_space<vmem>>
    %dma_start3A_285 = tpu.memref_squeeze %dma_start3A_284 : memref<1x80x128xf32, #tpu.memory_space<vmem>> -> memref<80x128xf32, #tpu.memory_space<vmem>>
    %dma_start3A_286 = arith.constant 0 : i32
    %dma_start3A_287 = tpu.memref_slice %arg6[%dma_start3A_279, %dma_start3A_286] : memref<4x80xi32, #tpu.memory_space<vmem>> -> memref<1x80xi32, #tpu.memory_space<vmem>>
    %dma_start3A_288 = tpu.memref_squeeze %dma_start3A_287 : memref<1x80xi32, #tpu.memory_space<vmem>> -> memref<80xi32, #tpu.memory_space<vmem>>
    %dma_start3A_289 = arith.constant 0 : i32
    %dma_start3A_290 = arith.constant 0 : i32
    %dma_start3A_291 = tpu.memref_slice %arg2[%dma_start3A_289, %dma_start3A_290] : memref<20000x128xf32, #tpu.memory_space<hbm>> -> memref<20000x128xf32, #tpu.memory_space<hbm>>
    %dma_start3A_292 = tpu.memref_slice %arg10[%dma_start3A_281] : memref<4x!tpu.dma_semaphore, #tpu.memory_space<semaphore_mem>> -> memref<1x!tpu.dma_semaphore, #tpu.memory_space<semaphore_mem>>
    %dma_start3A_293 = tpu.memref_squeeze %dma_start3A_292 : memref<1x!tpu.dma_semaphore, #tpu.memory_space<semaphore_mem>> -> memref<!tpu.dma_semaphore, #tpu.memory_space<semaphore_mem>>
    tpu.enqueue_indirect_dma source(%dma_start3A_291 : memref<20000x128xf32, #tpu.memory_space<hbm>>) target(%dma_start3A_285 : memref<80x128xf32, #tpu.memory_space<vmem>>) offsets(%dma_start3A_288 : memref<80xi32, #tpu.memory_space<vmem>>) semaphore(%dma_start3A_293 : memref<!tpu.dma_semaphore, #tpu.memory_space<semaphore_mem>>)
    %scan3A = arith.constant 0 : i32
    %scan3A_294 = arith.constant 125 : i32
    %scan3A_295 = arith.addi %scan3A, %scan3A_294 : i32
    %scan3A_296 = arith.constant 1 : i32
    scf.for %scan3A_309 = %scan3A to %scan3A_295 step %scan3A_296  : i32 {
      %rem3A = arith.constant 4 : i32
      %rem3A_310 = arith.remsi %scan3A_309, %rem3A : i32
      %add3A_311 = arith.constant 2 : i32
      %add3A_312 = arith.addi %scan3A_309, %add3A_311 : i32
      %rem3A_313 = arith.constant 4 : i32
      %rem3A_314 = arith.remsi %add3A_312, %rem3A_313 : i32
      %add3A_315 = arith.constant 3 : i32
      %add3A_316 = arith.addi %scan3A_309, %add3A_315 : i32
      %rem3A_317 = arith.constant 4 : i32
      %rem3A_318 = arith.remsi %add3A_316, %rem3A_317 : i32
      %add3A_319 = arith.constant 3 : i32
      %add3A_320 = arith.addi %scan3A_309, %add3A_319 : i32
      %lt3A_321 = arith.constant 125 : i32
      %lt3A_322 = arith.cmpi slt, %add3A_320, %lt3A_321 : i32
      %convert_element_type3A_323 = arith.extui %lt3A_322 : i1 to i32
      %cond3A_324 = arith.constant 0 : i32
      %cond3A_325 = arith.cmpi ne, %convert_element_type3A_323, %cond3A_324 : i32
      scf.if %cond3A_325 {
        %add3A_345 = arith.constant 3 : i32
        %add3A_346 = arith.addi %scan3A_309, %add3A_345 : i32
        %mul3A_347 = arith.constant 80 : i32
        %mul3A_348 = arith.muli %add3A_346, %mul3A_347 : i32
        %add3A_349 = arith.addi %mul3A_6, %mul3A_348 : i32
        %dma_start3A_350 = arith.constant 0 : i32
        %dma_start3A_351 = tpu.memref_slice %arg6[%rem3A_318, %dma_start3A_350] : memref<4x80xi32, #tpu.memory_space<vmem>> -> memref<1x80xi32, #tpu.memory_space<vmem>>
        %dma_start3A_352 = tpu.memref_squeeze %dma_start3A_351 : memref<1x80xi32, #tpu.memory_space<vmem>> -> memref<80xi32, #tpu.memory_space<vmem>>
        %dma_start3A_353 = tpu.memref_slice %arg3[%add3A_349] : memref<160000xi32, #tpu.memory_space<hbm>> -> memref<80xi32, #tpu.memory_space<hbm>>
        %dma_start3A_354 = tpu.memref_slice %arg11[%rem3A_318] : memref<4x!tpu.dma_semaphore, #tpu.memory_space<semaphore_mem>> -> memref<1x!tpu.dma_semaphore, #tpu.memory_space<semaphore_mem>>
        %dma_start3A_355 = tpu.memref_squeeze %dma_start3A_354 : memref<1x!tpu.dma_semaphore, #tpu.memory_space<semaphore_mem>> -> memref<!tpu.dma_semaphore, #tpu.memory_space<semaphore_mem>>
        %dma_start3A_356 = arith.constant 0 : i32
        %dma_start3A_357 = tpu.memref_slice %arg6[%rem3A_318, %dma_start3A_356] : memref<4x80xi32, #tpu.memory_space<vmem>> -> memref<1x80xi32, #tpu.memory_space<vmem>>
        %dma_start3A_358 = tpu.memref_squeeze %dma_start3A_357 : memref<1x80xi32, #tpu.memory_space<vmem>> -> memref<80xi32, #tpu.memory_space<vmem>>
        %dma_start3A_359 = tpu.memref_slice %arg3[%add3A_349] : memref<160000xi32, #tpu.memory_space<hbm>> -> memref<80xi32, #tpu.memory_space<hbm>>
        tpu.enqueue_dma source(%dma_start3A_359 : memref<80xi32, #tpu.memory_space<hbm>>) target(%dma_start3A_358 : memref<80xi32, #tpu.memory_space<vmem>>) target_semaphore(%dma_start3A_355 : memref<!tpu.dma_semaphore, #tpu.memory_space<semaphore_mem>>)
        %mul3A_360 = arith.constant 80 : i32
        %mul3A_361 = arith.muli %add3A_346, %mul3A_360 : i32
        %add3A_362 = arith.addi %mul3A_6, %mul3A_361 : i32
        %dma_start3A_363 = arith.constant 0 : i32
        %dma_start3A_364 = tpu.memref_slice %arg7[%rem3A_318, %dma_start3A_363] : memref<4x80xi32, #tpu.memory_space<vmem>> -> memref<1x80xi32, #tpu.memory_space<vmem>>
        %dma_start3A_365 = tpu.memref_squeeze %dma_start3A_364 : memref<1x80xi32, #tpu.memory_space<vmem>> -> memref<80xi32, #tpu.memory_space<vmem>>
        %dma_start3A_366 = tpu.memref_slice %arg4[%add3A_362] : memref<160000xi32, #tpu.memory_space<hbm>> -> memref<80xi32, #tpu.memory_space<hbm>>
        %dma_start3A_367 = tpu.memref_slice %arg11[%rem3A_318] : memref<4x!tpu.dma_semaphore, #tpu.memory_space<semaphore_mem>> -> memref<1x!tpu.dma_semaphore, #tpu.memory_space<semaphore_mem>>
        %dma_start3A_368 = tpu.memref_squeeze %dma_start3A_367 : memref<1x!tpu.dma_semaphore, #tpu.memory_space<semaphore_mem>> -> memref<!tpu.dma_semaphore, #tpu.memory_space<semaphore_mem>>
        %dma_start3A_369 = arith.constant 0 : i32
        %dma_start3A_370 = tpu.memref_slice %arg7[%rem3A_318, %dma_start3A_369] : memref<4x80xi32, #tpu.memory_space<vmem>> -> memref<1x80xi32, #tpu.memory_space<vmem>>
        %dma_start3A_371 = tpu.memref_squeeze %dma_start3A_370 : memref<1x80xi32, #tpu.memory_space<vmem>> -> memref<80xi32, #tpu.memory_space<vmem>>
        %dma_start3A_372 = tpu.memref_slice %arg4[%add3A_362] : memref<160000xi32, #tpu.memory_space<hbm>> -> memref<80xi32, #tpu.memory_space<hbm>>
        tpu.enqueue_dma source(%dma_start3A_372 : memref<80xi32, #tpu.memory_space<hbm>>) target(%dma_start3A_371 : memref<80xi32, #tpu.memory_space<vmem>>) target_semaphore(%dma_start3A_368 : memref<!tpu.dma_semaphore, #tpu.memory_space<semaphore_mem>>)
      } else {
      }
      %add3A_326 = arith.constant 2 : i32
      %add3A_327 = arith.addi %scan3A_309, %add3A_326 : i32
      %lt3A_328 = arith.constant 125 : i32
      %lt3A_329 = arith.cmpi slt, %add3A_327, %lt3A_328 : i32
      %convert_element_type3A_330 = arith.extui %lt3A_329 : i1 to i32
      %cond3A_331 = arith.constant 0 : i32
      %cond3A_332 = arith.cmpi ne, %convert_element_type3A_330, %cond3A_331 : i32
      scf.if %cond3A_332 {
        %add3A_345 = arith.constant 2 : i32
        %add3A_346 = arith.addi %scan3A_309, %add3A_345 : i32
        %mul3A_347 = arith.constant 80 : i32
        %mul3A_348 = arith.muli %add3A_346, %mul3A_347 : i32
        %add3A_349 = arith.addi %mul3A_6, %mul3A_348 : i32
        %dma_wait3A_350 = arith.constant 0 : i32
        %dma_wait3A_351 = tpu.memref_slice %arg6[%rem3A_314, %dma_wait3A_350] : memref<4x80xi32, #tpu.memory_space<vmem>> -> memref<1x80xi32, #tpu.memory_space<vmem>>
        %dma_wait3A_352 = tpu.memref_squeeze %dma_wait3A_351 : memref<1x80xi32, #tpu.memory_space<vmem>> -> memref<80xi32, #tpu.memory_space<vmem>>
        %dma_wait3A_353 = tpu.memref_slice %arg3[%add3A_349] : memref<160000xi32, #tpu.memory_space<hbm>> -> memref<80xi32, #tpu.memory_space<hbm>>
        %dma_wait3A_354 = tpu.memref_slice %arg11[%rem3A_314] : memref<4x!tpu.dma_semaphore, #tpu.memory_space<semaphore_mem>> -> memref<1x!tpu.dma_semaphore, #tpu.memory_space<semaphore_mem>>
        %dma_wait3A_355 = tpu.memref_squeeze %dma_wait3A_354 : memref<1x!tpu.dma_semaphore, #tpu.memory_space<semaphore_mem>> -> memref<!tpu.dma_semaphore, #tpu.memory_space<semaphore_mem>>
        %dma_wait3A_356 = arith.constant 0 : i32
        %dma_wait3A_357 = tpu.memref_slice %arg6[%rem3A_314, %dma_wait3A_356] : memref<4x80xi32, #tpu.memory_space<vmem>> -> memref<1x80xi32, #tpu.memory_space<vmem>>
        %dma_wait3A_358 = tpu.memref_squeeze %dma_wait3A_357 : memref<1x80xi32, #tpu.memory_space<vmem>> -> memref<80xi32, #tpu.memory_space<vmem>>
        %dma_wait3A_359 = tpu.memref_slice %arg3[%add3A_349] : memref<160000xi32, #tpu.memory_space<hbm>> -> memref<80xi32, #tpu.memory_space<hbm>>
        tpu.wait_dma2 semaphore(%dma_wait3A_355 : memref<!tpu.dma_semaphore, #tpu.memory_space<semaphore_mem>>) src(%dma_wait3A_359 : memref<80xi32, #tpu.memory_space<hbm>>) dst(%dma_wait3A_358 : memref<80xi32, #tpu.memory_space<vmem>>)
        %mul3A_360 = arith.constant 80 : i32
        %mul3A_361 = arith.muli %add3A_346, %mul3A_360 : i32
        %add3A_362 = arith.addi %mul3A_6, %mul3A_361 : i32
        %dma_wait3A_363 = arith.constant 0 : i32
        %dma_wait3A_364 = tpu.memref_slice %arg7[%rem3A_314, %dma_wait3A_363] : memref<4x80xi32, #tpu.memory_space<vmem>> -> memref<1x80xi32, #tpu.memory_space<vmem>>
        %dma_wait3A_365 = tpu.memref_squeeze %dma_wait3A_364 : memref<1x80xi32, #tpu.memory_space<vmem>> -> memref<80xi32, #tpu.memory_space<vmem>>
        %dma_wait3A_366 = tpu.memref_slice %arg4[%add3A_362] : memref<160000xi32, #tpu.memory_space<hbm>> -> memref<80xi32, #tpu.memory_space<hbm>>
        %dma_wait3A_367 = tpu.memref_slice %arg11[%rem3A_314] : memref<4x!tpu.dma_semaphore, #tpu.memory_space<semaphore_mem>> -> memref<1x!tpu.dma_semaphore, #tpu.memory_space<semaphore_mem>>
        %dma_wait3A_368 = tpu.memref_squeeze %dma_wait3A_367 : memref<1x!tpu.dma_semaphore, #tpu.memory_space<semaphore_mem>> -> memref<!tpu.dma_semaphore, #tpu.memory_space<semaphore_mem>>
        %dma_wait3A_369 = arith.constant 0 : i32
        %dma_wait3A_370 = tpu.memref_slice %arg7[%rem3A_314, %dma_wait3A_369] : memref<4x80xi32, #tpu.memory_space<vmem>> -> memref<1x80xi32, #tpu.memory_space<vmem>>
        %dma_wait3A_371 = tpu.memref_squeeze %dma_wait3A_370 : memref<1x80xi32, #tpu.memory_space<vmem>> -> memref<80xi32, #tpu.memory_space<vmem>>
        %dma_wait3A_372 = tpu.memref_slice %arg4[%add3A_362] : memref<160000xi32, #tpu.memory_space<hbm>> -> memref<80xi32, #tpu.memory_space<hbm>>
        tpu.wait_dma2 semaphore(%dma_wait3A_368 : memref<!tpu.dma_semaphore, #tpu.memory_space<semaphore_mem>>) src(%dma_wait3A_372 : memref<80xi32, #tpu.memory_space<hbm>>) dst(%dma_wait3A_371 : memref<80xi32, #tpu.memory_space<vmem>>)
        %get3A_373 = arith.index_cast %rem3A_314 : i32 to index
        %get3A_374 = arith.constant 0 : index
        %get3A_375 = tpu.vector_load %arg6[%get3A_373, %get3A_374] {strides = array<i32>} : memref<4x80xi32, #tpu.memory_space<vmem>>, vector<1x16xi32>,
        %get3A_376 = vector.shape_cast %get3A_375 : vector<1x16xi32> to vector<16xi32>
        %add3A_377 = arith.addi %get3A_376, %broadcast_in_dim3A : vector<16xi32>
        %swap3A_378 = arith.index_cast %rem3A_314 : i32 to index
        %swap3A_379 = arith.constant 0 : index
        %swap3A_380 = tpu.vector_load %arg6[%swap3A_378, %swap3A_379] {strides = array<i32>} : memref<4x80xi32, #tpu.memory_space<vmem>>, vector<1x16xi32>,
        %swap3A_381 = vector.shape_cast %swap3A_380 : vector<1x16xi32> to vector<16xi32>
        %swap3A_382 = vector.shape_cast %add3A_377 : vector<16xi32> to vector<1x16xi32>
        tpu.vector_store %arg6[%swap3A_378, %swap3A_379], %swap3A_382 {strides = array<i32>} : memref<4x80xi32, #tpu.memory_space<vmem>>, vector<1x16xi32>,
        %get3A_383 = arith.index_cast %rem3A_314 : i32 to index
        %get3A_384 = arith.constant 16 : index
        %get3A_385 = tpu.vector_load %arg6[%get3A_383, %get3A_384] {strides = array<i32>} : memref<4x80xi32, #tpu.memory_space<vmem>>, vector<1x16xi32>,
        %get3A_386 = vector.shape_cast %get3A_385 : vector<1x16xi32> to vector<16xi32>
        %add3A_387 = arith.addi %get3A_386, %broadcast_in_dim3A : vector<16xi32>
        %swap3A_388 = arith.index_cast %rem3A_314 : i32 to index
        %swap3A_389 = arith.constant 16 : index
        %swap3A_390 = tpu.vector_load %arg6[%swap3A_388, %swap3A_389] {strides = array<i32>} : memref<4x80xi32, #tpu.memory_space<vmem>>, vector<1x16xi32>,
        %swap3A_391 = vector.shape_cast %swap3A_390 : vector<1x16xi32> to vector<16xi32>
        %swap3A_392 = vector.shape_cast %add3A_387 : vector<16xi32> to vector<1x16xi32>
        tpu.vector_store %arg6[%swap3A_388, %swap3A_389], %swap3A_392 {strides = array<i32>} : memref<4x80xi32, #tpu.memory_space<vmem>>, vector<1x16xi32>,
        %get3A_393 = arith.index_cast %rem3A_314 : i32 to index
        %get3A_394 = arith.constant 32 : index
        %get3A_395 = tpu.vector_load %arg6[%get3A_393, %get3A_394] {strides = array<i32>} : memref<4x80xi32, #tpu.memory_space<vmem>>, vector<1x16xi32>,
        %get3A_396 = vector.shape_cast %get3A_395 : vector<1x16xi32> to vector<16xi32>
        %add3A_397 = arith.addi %get3A_396, %broadcast_in_dim3A : vector<16xi32>
        %swap3A_398 = arith.index_cast %rem3A_314 : i32 to index
        %swap3A_399 = arith.constant 32 : index
        %swap3A_400 = tpu.vector_load %arg6[%swap3A_398, %swap3A_399] {strides = array<i32>} : memref<4x80xi32, #tpu.memory_space<vmem>>, vector<1x16xi32>,
        %swap3A_401 = vector.shape_cast %swap3A_400 : vector<1x16xi32> to vector<16xi32>
        %swap3A_402 = vector.shape_cast %add3A_397 : vector<16xi32> to vector<1x16xi32>
        tpu.vector_store %arg6[%swap3A_398, %swap3A_399], %swap3A_402 {strides = array<i32>} : memref<4x80xi32, #tpu.memory_space<vmem>>, vector<1x16xi32>,
        %get3A_403 = arith.index_cast %rem3A_314 : i32 to index
        %get3A_404 = arith.constant 48 : index
        %get3A_405 = tpu.vector_load %arg6[%get3A_403, %get3A_404] {strides = array<i32>} : memref<4x80xi32, #tpu.memory_space<vmem>>, vector<1x16xi32>,
        %get3A_406 = vector.shape_cast %get3A_405 : vector<1x16xi32> to vector<16xi32>
        %add3A_407 = arith.addi %get3A_406, %broadcast_in_dim3A : vector<16xi32>
        %swap3A_408 = arith.index_cast %rem3A_314 : i32 to index
        %swap3A_409 = arith.constant 48 : index
        %swap3A_410 = tpu.vector_load %arg6[%swap3A_408, %swap3A_409] {strides = array<i32>} : memref<4x80xi32, #tpu.memory_space<vmem>>, vector<1x16xi32>,
        %swap3A_411 = vector.shape_cast %swap3A_410 : vector<1x16xi32> to vector<16xi32>
        %swap3A_412 = vector.shape_cast %add3A_407 : vector<16xi32> to vector<1x16xi32>
        tpu.vector_store %arg6[%swap3A_408, %swap3A_409], %swap3A_412 {strides = array<i32>} : memref<4x80xi32, #tpu.memory_space<vmem>>, vector<1x16xi32>,
        %get3A_413 = arith.index_cast %rem3A_314 : i32 to index
        %get3A_414 = arith.constant 64 : index
        %get3A_415 = tpu.vector_load %arg6[%get3A_413, %get3A_414] {strides = array<i32>} : memref<4x80xi32, #tpu.memory_space<vmem>>, vector<1x16xi32>,
        %get3A_416 = vector.shape_cast %get3A_415 : vector<1x16xi32> to vector<16xi32>
        %add3A_417 = arith.addi %get3A_416, %broadcast_in_dim3A : vector<16xi32>
        %swap3A_418 = arith.index_cast %rem3A_314 : i32 to index
        %swap3A_419 = arith.constant 64 : index
        %swap3A_420 = tpu.vector_load %arg6[%swap3A_418, %swap3A_419] {strides = array<i32>} : memref<4x80xi32, #tpu.memory_space<vmem>>, vector<1x16xi32>,
        %swap3A_421 = vector.shape_cast %swap3A_420 : vector<1x16xi32> to vector<16xi32>
        %swap3A_422 = vector.shape_cast %add3A_417 : vector<16xi32> to vector<1x16xi32>
        tpu.vector_store %arg6[%swap3A_418, %swap3A_419], %swap3A_422 {strides = array<i32>} : memref<4x80xi32, #tpu.memory_space<vmem>>, vector<1x16xi32>,
        %add3A_423 = arith.constant 2 : i32
        %add3A_424 = arith.addi %scan3A_309, %add3A_423 : i32
        %dma_start3A_425 = arith.constant 0 : i32
        %dma_start3A_426 = arith.constant 0 : i32
        %dma_start3A_427 = tpu.memref_slice %arg8[%rem3A_314, %dma_start3A_425, %dma_start3A_426] : memref<4x80x128xf32, #tpu.memory_space<vmem>> -> memref<1x80x128xf32, #tpu.memory_space<vmem>>
        %dma_start3A_428 = tpu.memref_squeeze %dma_start3A_427 : memref<1x80x128xf32, #tpu.memory_space<vmem>> -> memref<80x128xf32, #tpu.memory_space<vmem>>
        %dma_start3A_429 = arith.constant 0 : i32
        %dma_start3A_430 = tpu.memref_slice %arg6[%rem3A_314, %dma_start3A_429] : memref<4x80xi32, #tpu.memory_space<vmem>> -> memref<1x80xi32, #tpu.memory_space<vmem>>
        %dma_start3A_431 = tpu.memref_squeeze %dma_start3A_430 : memref<1x80xi32, #tpu.memory_space<vmem>> -> memref<80xi32, #tpu.memory_space<vmem>>
        %dma_start3A_432 = arith.constant 0 : i32
        %dma_start3A_433 = arith.constant 0 : i32
        %dma_start3A_434 = tpu.memref_slice %arg2[%dma_start3A_432, %dma_start3A_433] : memref<20000x128xf32, #tpu.memory_space<hbm>> -> memref<20000x128xf32, #tpu.memory_space<hbm>>
        %dma_start3A_435 = tpu.memref_slice %arg10[%rem3A_314] : memref<4x!tpu.dma_semaphore, #tpu.memory_space<semaphore_mem>> -> memref<1x!tpu.dma_semaphore, #tpu.memory_space<semaphore_mem>>
        %dma_start3A_436 = tpu.memref_squeeze %dma_start3A_435 : memref<1x!tpu.dma_semaphore, #tpu.memory_space<semaphore_mem>> -> memref<!tpu.dma_semaphore, #tpu.memory_space<semaphore_mem>>
        tpu.enqueue_indirect_dma source(%dma_start3A_434 : memref<20000x128xf32, #tpu.memory_space<hbm>>) target(%dma_start3A_428 : memref<80x128xf32, #tpu.memory_space<vmem>>) offsets(%dma_start3A_431 : memref<80xi32, #tpu.memory_space<vmem>>) semaphore(%dma_start3A_436 : memref<!tpu.dma_semaphore, #tpu.memory_space<semaphore_mem>>)
      } else {
      }
      %dma_wait3A_333 = arith.constant 0 : i32
      %dma_wait3A_334 = arith.constant 0 : i32
      %dma_wait3A_335 = tpu.memref_slice %arg8[%rem3A_310, %dma_wait3A_333, %dma_wait3A_334] : memref<4x80x128xf32, #tpu.memory_space<vmem>> -> memref<1x80x128xf32, #tpu.memory_space<vmem>>
      %dma_wait3A_336 = tpu.memref_squeeze %dma_wait3A_335 : memref<1x80x128xf32, #tpu.memory_space<vmem>> -> memref<80x128xf32, #tpu.memory_space<vmem>>
      %dma_wait3A_337 = arith.constant 0 : i32
      %dma_wait3A_338 = tpu.memref_slice %arg6[%rem3A_310, %dma_wait3A_337] : memref<4x80xi32, #tpu.memory_space<vmem>> -> memref<1x80xi32, #tpu.memory_space<vmem>>
      %dma_wait3A_339 = tpu.memref_squeeze %dma_wait3A_338 : memref<1x80xi32, #tpu.memory_space<vmem>> -> memref<80xi32, #tpu.memory_space<vmem>>
      %dma_wait3A_340 = arith.constant 0 : i32
      %dma_wait3A_341 = arith.constant 0 : i32
      %dma_wait3A_342 = tpu.memref_slice %arg2[%dma_wait3A_340, %dma_wait3A_341] : memref<20000x128xf32, #tpu.memory_space<hbm>> -> memref<20000x128xf32, #tpu.memory_space<hbm>>
      %dma_wait3A_343 = tpu.memref_slice %arg10[%rem3A_310] : memref<4x!tpu.dma_semaphore, #tpu.memory_space<semaphore_mem>> -> memref<1x!tpu.dma_semaphore, #tpu.memory_space<semaphore_mem>>
      %dma_wait3A_344 = tpu.memref_squeeze %dma_wait3A_343 : memref<1x!tpu.dma_semaphore, #tpu.memory_space<semaphore_mem>> -> memref<!tpu.dma_semaphore, #tpu.memory_space<semaphore_mem>>
      tpu.wait_indirect_dma semaphore(%dma_wait3A_344 : memref<!tpu.dma_semaphore, #tpu.memory_space<semaphore_mem>>) src(%dma_wait3A_342 : memref<20000x128xf32, #tpu.memory_space<hbm>>) dst(%dma_wait3A_336 : memref<80x128xf32, #tpu.memory_space<vmem>>)
      "tpu.region"() ({
        %run_scoped3A = tpu.sem_alloc : memref<!tpu.dma_semaphore, #tpu.memory_space<semaphore_mem>>
        %dma_start3A_345 = arith.constant 0 : i32
        %dma_start3A_346 = arith.constant 0 : i32
        %dma_start3A_347 = tpu.memref_slice %arg8[%rem3A_310, %dma_start3A_345, %dma_start3A_346] : memref<4x80x128xf32, #tpu.memory_space<vmem>> -> memref<1x80x128xf32, #tpu.memory_space<vmem>>
        %dma_start3A_348 = tpu.memref_squeeze %dma_start3A_347 : memref<1x80x128xf32, #tpu.memory_space<vmem>> -> memref<80x128xf32, #tpu.memory_space<vmem>>
        %dma_start3A_349 = arith.constant 0 : i32
        %dma_start3A_350 = tpu.memref_slice %arg7[%rem3A_310, %dma_start3A_349] : memref<4x80xi32, #tpu.memory_space<vmem>> -> memref<1x80xi32, #tpu.memory_space<vmem>>
        %dma_start3A_351 = tpu.memref_squeeze %dma_start3A_350 : memref<1x80xi32, #tpu.memory_space<vmem>> -> memref<80xi32, #tpu.memory_space<vmem>>
        %dma_start3A_352 = arith.constant 0 : i32
        %dma_start3A_353 = arith.constant 0 : i32
        %dma_start3A_354 = tpu.memref_slice %arg9[%dma_start3A_352, %dma_start3A_353] : memref<10000x128xf32, #tpu.memory_space<vmem_shared>> -> memref<10000x128xf32, #tpu.memory_space<vmem_shared>>
        tpu.enqueue_indirect_dma source(%dma_start3A_348 : memref<80x128xf32, #tpu.memory_space<vmem>>) target(%dma_start3A_354 : memref<10000x128xf32, #tpu.memory_space<vmem_shared>>) offsets(%dma_start3A_351 : memref<80xi32, #tpu.memory_space<vmem>>) semaphore(%run_scoped3A : memref<!tpu.dma_semaphore, #tpu.memory_space<semaphore_mem>>) {add = true}
        %dma_wait3A_355 = arith.constant 0 : i32
        %dma_wait3A_356 = arith.constant 0 : i32
        %dma_wait3A_357 = tpu.memref_slice %arg8[%rem3A_310, %dma_wait3A_355, %dma_wait3A_356] : memref<4x80x128xf32, #tpu.memory_space<vmem>> -> memref<1x80x128xf32, #tpu.memory_space<vmem>>
        %dma_wait3A_358 = tpu.memref_squeeze %dma_wait3A_357 : memref<1x80x128xf32, #tpu.memory_space<vmem>> -> memref<80x128xf32, #tpu.memory_space<vmem>>
        %dma_wait3A_359 = arith.constant 0 : i32
        %dma_wait3A_360 = tpu.memref_slice %arg7[%rem3A_310, %dma_wait3A_359] : memref<4x80xi32, #tpu.memory_space<vmem>> -> memref<1x80xi32, #tpu.memory_space<vmem>>
        %dma_wait3A_361 = tpu.memref_squeeze %dma_wait3A_360 : memref<1x80xi32, #tpu.memory_space<vmem>> -> memref<80xi32, #tpu.memory_space<vmem>>
        %dma_wait3A_362 = arith.constant 0 : i32
        %dma_wait3A_363 = arith.constant 0 : i32
        %dma_wait3A_364 = tpu.memref_slice %arg9[%dma_wait3A_362, %dma_wait3A_363] : memref<10000x128xf32, #tpu.memory_space<vmem_shared>> -> memref<10000x128xf32, #tpu.memory_space<vmem_shared>>
        tpu.wait_indirect_dma semaphore(%run_scoped3A : memref<!tpu.dma_semaphore, #tpu.memory_space<semaphore_mem>>) src(%dma_wait3A_358 : memref<80x128xf32, #tpu.memory_space<vmem>>) dst(%dma_wait3A_364 : memref<10000x128xf32, #tpu.memory_space<vmem_shared>>)
        tpu.yield
      }) : () -> ()
    }
    %scan3A_297 = arith.constant 125 : i32
    %barrier3A_298 = arith.constant 0 : index
    tpu.barrier barrier_id(%barrier3A_298)
    %lt3A_299 = arith.constant 15 : i32
    %lt3A_300 = arith.cmpi slt, %arg1, %lt3A_299 : i32
    %convert_element_type3A_301 = arith.extui %lt3A_300 : i1 to i32
    %cond3A_302 = arith.constant 0 : i32
    %cond3A_303 = arith.cmpi ne, %convert_element_type3A_301, %cond3A_302 : i32
    scf.if %cond3A_303 {
      %mul3A_309 = arith.constant 640 : i32
      %mul3A_310 = arith.muli %arg1, %mul3A_309 : i32
      %mul3A_311 = arith.constant 640 : i32
      %mul3A_312 = arith.muli %arg1, %mul3A_311 : i32
      "tpu.region"() ({
        %run_scoped3A = tpu.sem_alloc : memref<!tpu.dma_semaphore, #tpu.memory_space<semaphore_mem>>
        %dma_start3A_313 = arith.constant 0 : i32
        %dma_start3A_314 = tpu.memref_slice %arg5[%arg0, %mul3A_312, %dma_start3A_313] : memref<2x10000x128xf32, #tpu.memory_space<hbm>> -> memref<1x640x128xf32, #tpu.memory_space<hbm>>
        %dma_start3A_315 = tpu.memref_squeeze %dma_start3A_314 : memref<1x640x128xf32, #tpu.memory_space<hbm>> -> memref<640x128xf32, #tpu.memory_space<hbm>>
        %dma_start3A_316 = arith.constant 0 : i32
        %dma_start3A_317 = tpu.memref_slice %arg9[%mul3A_310, %dma_start3A_316] : memref<10000x128xf32, #tpu.memory_space<vmem_shared>> -> memref<640x128xf32, #tpu.memory_space<vmem_shared>>
        tpu.enqueue_dma source(%dma_start3A_317 : memref<640x128xf32, #tpu.memory_space<vmem_shared>>) target(%dma_start3A_315 : memref<640x128xf32, #tpu.memory_space<hbm>>) target_semaphore(%run_scoped3A : memref<!tpu.dma_semaphore, #tpu.memory_space<semaphore_mem>>)
        %dma_wait3A_318 = arith.constant 0 : i32
        %dma_wait3A_319 = tpu.memref_slice %arg5[%arg0, %mul3A_312, %dma_wait3A_318] : memref<2x10000x128xf32, #tpu.memory_space<hbm>> -> memref<1x640x128xf32, #tpu.memory_space<hbm>>
        %dma_wait3A_320 = tpu.memref_squeeze %dma_wait3A_319 : memref<1x640x128xf32, #tpu.memory_space<hbm>> -> memref<640x128xf32, #tpu.memory_space<hbm>>
        %dma_wait3A_321 = arith.constant 0 : i32
        %dma_wait3A_322 = tpu.memref_slice %arg9[%mul3A_310, %dma_wait3A_321] : memref<10000x128xf32, #tpu.memory_space<vmem_shared>> -> memref<640x128xf32, #tpu.memory_space<vmem_shared>>
        tpu.wait_dma2 semaphore(%run_scoped3A : memref<!tpu.dma_semaphore, #tpu.memory_space<semaphore_mem>>) src(%dma_wait3A_322 : memref<640x128xf32, #tpu.memory_space<vmem_shared>>) dst(%dma_wait3A_320 : memref<640x128xf32, #tpu.memory_space<hbm>>)
        tpu.yield
      }) : () -> ()
    } else {
    }
    %eq3A_304 = arith.constant 15 : i32
    %eq3A_305 = arith.cmpi eq, %arg1, %eq3A_304 : i32
    %convert_element_type3A_306 = arith.extui %eq3A_305 : i1 to i32
    %cond3A_307 = arith.constant 0 : i32
    %cond3A_308 = arith.cmpi ne, %convert_element_type3A_306, %cond3A_307 : i32
    scf.if %cond3A_308 {
      "tpu.region"() ({
        %run_scoped3A = tpu.sem_alloc : memref<!tpu.dma_semaphore, #tpu.memory_space<semaphore_mem>>
        %dma_start3A_309 = arith.constant 9600 : i32
        %dma_start3A_310 = arith.constant 0 : i32
        %dma_start3A_311 = tpu.memref_slice %arg5[%arg0, %dma_start3A_309, %dma_start3A_310] : memref<2x10000x128xf32, #tpu.memory_space<hbm>> -> memref<1x400x128xf32, #tpu.memory_space<hbm>>
        %dma_start3A_312 = tpu.memref_squeeze %dma_start3A_311 : memref<1x400x128xf32, #tpu.memory_space<hbm>> -> memref<400x128xf32, #tpu.memory_space<hbm>>
        %dma_start3A_313 = arith.constant 9600 : i32
        %dma_start3A_314 = arith.constant 0 : i32
        %dma_start3A_315 = tpu.memref_slice %arg9[%dma_start3A_313, %dma_start3A_314] : memref<10000x128xf32, #tpu.memory_space<vmem_shared>> -> memref<400x128xf32, #tpu.memory_space<vmem_shared>>
        tpu.enqueue_dma source(%dma_start3A_315 : memref<400x128xf32, #tpu.memory_space<vmem_shared>>) target(%dma_start3A_312 : memref<400x128xf32, #tpu.memory_space<hbm>>) target_semaphore(%run_scoped3A : memref<!tpu.dma_semaphore, #tpu.memory_space<semaphore_mem>>)
        %dma_wait3A_316 = arith.constant 9600 : i32
        %dma_wait3A_317 = arith.constant 0 : i32
        %dma_wait3A_318 = tpu.memref_slice %arg5[%arg0, %dma_wait3A_316, %dma_wait3A_317] : memref<2x10000x128xf32, #tpu.memory_space<hbm>> -> memref<1x400x128xf32, #tpu.memory_space<hbm>>
        %dma_wait3A_319 = tpu.memref_squeeze %dma_wait3A_318 : memref<1x400x128xf32, #tpu.memory_space<hbm>> -> memref<400x128xf32, #tpu.memory_space<hbm>>
        %dma_wait3A_320 = arith.constant 9600 : i32
        %dma_wait3A_321 = arith.constant 0 : i32
        %dma_wait3A_322 = tpu.memref_slice %arg9[%dma_wait3A_320, %dma_wait3A_321] : memref<10000x128xf32, #tpu.memory_space<vmem_shared>> -> memref<400x128xf32, #tpu.memory_space<vmem_shared>>
        tpu.wait_dma2 semaphore(%run_scoped3A : memref<!tpu.dma_semaphore, #tpu.memory_space<semaphore_mem>>) src(%dma_wait3A_322 : memref<400x128xf32, #tpu.memory_space<vmem_shared>>) dst(%dma_wait3A_319 : memref<400x128xf32, #tpu.memory_space<hbm>>)
        tpu.yield
      }) : () -> ()
    } else {
    }
    return
  }
}

module attributes {stable_mosaic.version = 14 : i64} {
  func.func @body(%arg0: i32, %arg1: memref<1000x1xf32, #tpu.memory_space<vmem>>, %arg2: memref<2x1000x128xf32, #tpu.memory_space<vmem>>, %arg3: memref<256x512xf32, #tpu.memory_space<vmem>>, %arg4: memref<1x512xf32, #tpu.memory_space<vmem>>, %arg5: memref<1000x512xf32, #tpu.memory_space<vmem>>) attributes {dimension_semantics = [#tpu.dimension_semantics<arbitrary>], iteration_bounds = array<i64: 10>, scalar_prefetch = 0 : i64, scratch_operands = 0 : i64, tpu.core_type = #tpu.core_type<tc>, window_params = [{transform_indices = @transform_0, window_bounds = array<i64: 1000, 1>}, {transform_indices = @transform_1, window_bounds = array<i64: 2, 1000, 128>}, {pipeline_mode = #tpu.pipeline_mode<synchronous>, transform_indices = @transform_2, window_bounds = array<i64: 256, 512>}, {pipeline_mode = #tpu.pipeline_mode<synchronous>, transform_indices = @transform_3, window_bounds = array<i64: 1, 512>}, {transform_indices = @transform_4, window_bounds = array<i64: 1000, 512>}]} {
    %get3A = arith.constant 0 : index
    %get3A_0 = arith.constant 0 : index
    %get3A_1 = vector.load %arg1[%get3A, %get3A_0] : memref<1000x1xf32, #tpu.memory_space<vmem>>, vector<1000x1xf32>
    %get3A_2 = arith.constant 0 : index
    %get3A_3 = arith.constant 0 : index
    %get3A_4 = arith.constant 0 : index
    %get3A_5 = vector.load %arg2[%get3A_2, %get3A_3, %get3A_4] : memref<2x1000x128xf32, #tpu.memory_space<vmem>>, vector<1x1000x128xf32>
    %get3A_6 = vector.shape_cast %get3A_5 : vector<1x1000x128xf32> to vector<1000x128xf32>
    %mul3A = vector.broadcast %get3A_1 : vector<1000x1xf32> to vector<1000x128xf32>
    %mul3A_7 = arith.mulf %get3A_6, %mul3A : vector<1000x128xf32>
    %get3A_8 = arith.constant 0 : index
    %get3A_9 = arith.constant 0 : index
    %get3A_10 = vector.load %arg3[%get3A_8, %get3A_9] : memref<256x512xf32, #tpu.memory_space<vmem>>, vector<128x512xf32>
    %dot_general3A = arith.constant dense<0.000000e+00> : vector<1000x512xf32>
    %dot_general3A_11 = tpu.matmul %mul3A_7, %get3A_10, %dot_general3A {dimension_numbers = #tpu.dot_dimension_numbers<[1], [0], [0], [1], [0, 0, 1, 1], [], []>, precision = #tpu.contract_precision<fp32>, transpose_lhs_hint = false} : vector<1000x128xf32>, vector<128x512xf32>, vector<1000x512xf32> -> vector<1000x512xf32>
    %get3A_12 = arith.constant 1 : index
    %get3A_13 = arith.constant 0 : index
    %get3A_14 = arith.constant 0 : index
    %get3A_15 = vector.load %arg2[%get3A_12, %get3A_13, %get3A_14] : memref<2x1000x128xf32, #tpu.memory_space<vmem>>, vector<1x1000x128xf32>
    %get3A_16 = vector.shape_cast %get3A_15 : vector<1x1000x128xf32> to vector<1000x128xf32>
    %mul3A_17 = vector.broadcast %get3A_1 : vector<1000x1xf32> to vector<1000x128xf32>
    %mul3A_18 = arith.mulf %get3A_16, %mul3A_17 : vector<1000x128xf32>
    %get3A_19 = arith.constant 128 : index
    %get3A_20 = arith.constant 0 : index
    %get3A_21 = vector.load %arg3[%get3A_19, %get3A_20] : memref<256x512xf32, #tpu.memory_space<vmem>>, vector<128x512xf32>
    %dot_general3A_22 = arith.constant dense<0.000000e+00> : vector<1000x512xf32>
    %dot_general3A_23 = tpu.matmul %mul3A_18, %get3A_21, %dot_general3A_22 {dimension_numbers = #tpu.dot_dimension_numbers<[1], [0], [0], [1], [0, 0, 1, 1], [], []>, precision = #tpu.contract_precision<fp32>, transpose_lhs_hint = false} : vector<1000x128xf32>, vector<128x512xf32>, vector<1000x512xf32> -> vector<1000x512xf32>
    %add3A = arith.addf %dot_general3A_11, %dot_general3A_23 : vector<1000x512xf32>
    %get3A_24 = arith.constant 0 : index
    %get3A_25 = arith.constant 0 : index
    %get3A_26 = vector.load %arg4[%get3A_24, %get3A_25] : memref<1x512xf32, #tpu.memory_space<vmem>>, vector<1x512xf32>
    %get3A_27 = vector.shape_cast %get3A_26 : vector<1x512xf32> to vector<512xf32>
    %broadcast_in_dim3A = vector.shape_cast %get3A_27 : vector<512xf32> to vector<1x512xf32>
    %add3A_28 = vector.broadcast %broadcast_in_dim3A : vector<1x512xf32> to vector<1000x512xf32>
    %add3A_29 = arith.addf %add3A, %add3A_28 : vector<1000x512xf32>
    %max3A = arith.constant 0.000000e+00 : f32
    %max3A_30 = vector.broadcast %max3A : f32 to vector<1000x512xf32>
    %max3A_31 = arith.maximumf %add3A_29, %max3A_30 : vector<1000x512xf32>
    %swap3A = arith.constant 0 : index
    %swap3A_32 = arith.constant 0 : index
    %swap3A_33 = vector.load %arg5[%swap3A, %swap3A_32] : memref<1000x512xf32, #tpu.memory_space<vmem>>, vector<1000x512xf32>
    tpu.vector_store %arg5[%swap3A, %swap3A_32], %max3A_31 {strides = array<i32>} : memref<1000x512xf32, #tpu.memory_space<vmem>>, vector<1000x512xf32>,
    return
  }
  func.func @transform_0(%arg0: i32) -> (i32, i32) {
    %c0_i32 = arith.constant 0 : i32
    %c0_i32_0 = arith.constant 0 : i32
    return %arg0, %c0_i32 : i32, i32
  }
  func.func @transform_1(%arg0: i32) -> (i32, i32, i32) {
    %c0_i32 = arith.constant 0 : i32
    %c0_i32_0 = arith.constant 0 : i32
    %c0_i32_1 = arith.constant 0 : i32
    return %c0_i32, %arg0, %c0_i32_0 : i32, i32, i32
  }
  func.func @transform_2(%arg0: i32) -> (i32, i32) {
    %c0_i32 = arith.constant 0 : i32
    %c0_i32_0 = arith.constant 0 : i32
    %c0_i32_1 = arith.constant 0 : i32
    return %c0_i32, %c0_i32_0 : i32, i32
  }
  func.func @transform_3(%arg0: i32) -> (i32, i32) {
    %c0_i32 = arith.constant 0 : i32
    %c0_i32_0 = arith.constant 0 : i32
    %c0_i32_1 = arith.constant 0 : i32
    return %c0_i32, %c0_i32_0 : i32, i32
  }
  func.func @transform_4(%arg0: i32) -> (i32, i32) {
    %c0_i32 = arith.constant 0 : i32
    %c0_i32_0 = arith.constant 0 : i32
    return %arg0, %c0_i32 : i32, i32
  }
}

module attributes {stable_mosaic.version = 14 : i64} {
  func.func @body(%arg0: i32, %arg1: memref<2x2000x128xf32, #tpu.memory_space<vmem>>, %arg2: memref<2000x256xf32, #tpu.memory_space<vmem>>, %arg3: memref<2x2000x128xf32, #tpu.memory_space<vmem>>, %arg4: memref<2000x1xf32, #tpu.memory_space<vmem>>) attributes {dimension_semantics = [#tpu.dimension_semantics<arbitrary>], iteration_bounds = array<i64: 5>, scalar_prefetch = 0 : i64, scratch_operands = 0 : i64, tpu.core_type = #tpu.core_type<tc>, window_params = [{transform_indices = @transform_0, window_bounds = array<i64: 2, 2000, 128>}, {transform_indices = @transform_1, window_bounds = array<i64: 2000, 256>}, {transform_indices = @transform_2, window_bounds = array<i64: 2, 2000, 128>}, {transform_indices = @transform_3, window_bounds = array<i64: 2000, 1>}]} {
    %get3A = arith.constant 0 : index
    %get3A_0 = arith.constant 0 : index
    %get3A_1 = arith.constant 0 : index
    %get3A_2 = vector.load %arg1[%get3A, %get3A_0, %get3A_1] : memref<2x2000x128xf32, #tpu.memory_space<vmem>>, vector<1x2000x1xf32>
    %get3A_3 = vector.shape_cast %get3A_2 : vector<1x2000x1xf32> to vector<2000xf32>
    %get3A_4 = arith.constant 1 : index
    %get3A_5 = arith.constant 0 : index
    %get3A_6 = arith.constant 0 : index
    %get3A_7 = vector.load %arg1[%get3A_4, %get3A_5, %get3A_6] : memref<2x2000x128xf32, #tpu.memory_space<vmem>>, vector<1x2000x1xf32>
    %get3A_8 = vector.shape_cast %get3A_7 : vector<1x2000x1xf32> to vector<2000xf32>
    %add3A = arith.addf %get3A_3, %get3A_8 : vector<2000xf32>
    %add3A_9 = arith.constant 1.000000e+00 : f32
    %add3A_10 = vector.broadcast %add3A_9 : f32 to vector<2000xf32>
    %add3A_11 = arith.addf %add3A, %add3A_10 : vector<2000xf32>
    %rsqrt3A = math.rsqrt %add3A_11 : vector<2000xf32>
    %broadcast_in_dim3A = vector.shape_cast %rsqrt3A : vector<2000xf32> to vector<2000x1xf32>
    %get3A_12 = arith.constant 0 : index
    %get3A_13 = arith.constant 0 : index
    %get3A_14 = vector.load %arg2[%get3A_12, %get3A_13] : memref<2000x256xf32, #tpu.memory_space<vmem>>, vector<2000x128xf32>
    %mul3A = vector.broadcast %broadcast_in_dim3A : vector<2000x1xf32> to vector<2000x128xf32>
    %mul3A_15 = arith.mulf %get3A_14, %mul3A : vector<2000x128xf32>
    %swap3A = arith.constant 0 : index
    %swap3A_16 = arith.constant 0 : index
    %swap3A_17 = arith.constant 0 : index
    %swap3A_18 = vector.load %arg3[%swap3A, %swap3A_16, %swap3A_17] : memref<2x2000x128xf32, #tpu.memory_space<vmem>>, vector<1x2000x128xf32>
    %swap3A_19 = vector.shape_cast %swap3A_18 : vector<1x2000x128xf32> to vector<2000x128xf32>
    %swap3A_20 = vector.shape_cast %mul3A_15 : vector<2000x128xf32> to vector<1x2000x128xf32>
    tpu.vector_store %arg3[%swap3A, %swap3A_16, %swap3A_17], %swap3A_20 {strides = array<i32>} : memref<2x2000x128xf32, #tpu.memory_space<vmem>>, vector<1x2000x128xf32>,
    %get3A_21 = arith.constant 0 : index
    %get3A_22 = arith.constant 128 : index
    %get3A_23 = vector.load %arg2[%get3A_21, %get3A_22] : memref<2000x256xf32, #tpu.memory_space<vmem>>, vector<2000x128xf32>
    %mul3A_24 = vector.broadcast %broadcast_in_dim3A : vector<2000x1xf32> to vector<2000x128xf32>
    %mul3A_25 = arith.mulf %get3A_23, %mul3A_24 : vector<2000x128xf32>
    %swap3A_26 = arith.constant 1 : index
    %swap3A_27 = arith.constant 0 : index
    %swap3A_28 = arith.constant 0 : index
    %swap3A_29 = vector.load %arg3[%swap3A_26, %swap3A_27, %swap3A_28] : memref<2x2000x128xf32, #tpu.memory_space<vmem>>, vector<1x2000x128xf32>
    %swap3A_30 = vector.shape_cast %swap3A_29 : vector<1x2000x128xf32> to vector<2000x128xf32>
    %swap3A_31 = vector.shape_cast %mul3A_25 : vector<2000x128xf32> to vector<1x2000x128xf32>
    tpu.vector_store %arg3[%swap3A_26, %swap3A_27, %swap3A_28], %swap3A_31 {strides = array<i32>} : memref<2x2000x128xf32, #tpu.memory_space<vmem>>, vector<1x2000x128xf32>,
    %swap3A_32 = arith.constant 0 : index
    %swap3A_33 = arith.constant 0 : index
    %swap3A_34 = vector.load %arg4[%swap3A_32, %swap3A_33] : memref<2000x1xf32, #tpu.memory_space<vmem>>, vector<2000x1xf32>
    tpu.vector_store %arg4[%swap3A_32, %swap3A_33], %broadcast_in_dim3A {strides = array<i32>} : memref<2000x1xf32, #tpu.memory_space<vmem>>, vector<2000x1xf32>,
    return
  }
  func.func @transform_0(%arg0: i32) -> (i32, i32, i32) {
    %c0_i32 = arith.constant 0 : i32
    %c0_i32_0 = arith.constant 0 : i32
    %c0_i32_1 = arith.constant 0 : i32
    return %c0_i32, %arg0, %c0_i32_0 : i32, i32, i32
  }
  func.func @transform_1(%arg0: i32) -> (i32, i32) {
    %c0_i32 = arith.constant 0 : i32
    %c0_i32_0 = arith.constant 0 : i32
    return %arg0, %c0_i32 : i32, i32
  }
  func.func @transform_2(%arg0: i32) -> (i32, i32, i32) {
    %c0_i32 = arith.constant 0 : i32
    %c0_i32_0 = arith.constant 0 : i32
    %c0_i32_1 = arith.constant 0 : i32
    return %c0_i32, %arg0, %c0_i32_0 : i32, i32, i32
  }
  func.func @transform_3(%arg0: i32) -> (i32, i32) {
    %c0_i32 = arith.constant 0 : i32
    %c0_i32_0 = arith.constant 0 : i32
    return %arg0, %c0_i32 : i32, i32
  }
}

</mosaic_0001>

<sc_bundles>
// kernel: kernel.6.cloned.1.call-start
scs
__scs_entry_jumppad:
0x0: {  	(pc) =	sbr.rel $0x88, $3  }
0x1: {  	(tag) =	ssettag $0x0;
	lr =	simm.s32 $0x1  }
0x2: {  	[smem:$0x3F9D] =	sst lr;
	_ =	strace $0xD0000000  }
0x3: {  	_ = 	snop  }
0x4: {  	_ = 	snop  }
0x5: {  	_ = 	snop  }
0x6: {  	_ = 	snop  }
0x7: {  	_ = 	snop  }
__scs_overlays_trampoline_lowered:
0x8: {  	[smem:$0x3FAC] =	sst s0  }
0x9: {  	[smem:$0x3FAD] =	sst s1  }
0xa: {  	[smem:$0x3FAE] =	sst s2  }
0xb: {  	[smem:$0x3FAF] =	sst s3  }
0xc: {  	[smem:$0x3FB0] =	sst s4  }
0xd: {  	[smem:$0x3FB1] =	sst s5  }
0xe: {  	[smem:$0x3FB2] =	sst s6  }
0xf: {  	[smem:$0x3FB3] =	sst s7  }
0x10: {  	[smem:$0x3FB4] =	sst s8  }
0x11: {  	[smem:$0x3FB5] =	sst s9;
	s0 =	simm.s32 @!p0 $0x0  }
0x12: {  	s1 =	sld [smem:$0x3F9B];
	s0 =	simm.s32 @p0 $0x1  }
0x13: {  	[smem:$0x3FB6] =	sst s0;
	s0 =	simm.s32 @!p1 $0x0  }
0x14: {  	s2 =	sld [smem:$0x3F9A];
	s0 =	simm.s32 @p1 $0x1  }
0x15: {  	[smem:$0x3FB7] =	sst s0;
	s0 =	simm.s32 @!p2 $0x0  }
0x16: {  	s3 =	sld [smem:$0x3FDB];
	s0 =	simm.s32 @p2 $0x1  }
0x17: {  	s4 =	simm.s32 $0x1BF5;
	[smem:$0x3FB9] =	sst s0  }
0x18: {  	s0 =	sld [smem:$0x3F9C];
	_ =	swait.ge [sflag:s4], $0x0  }
0x19: {  	s7 =	sld [smem:$0x3F9D]  }
0x1a: {  	s8 =	sadd.s32 $0xFFFFE003, lr  }
0x1b: {  	s9 =	sadd.s32 $0xFFFFFEF7, lr;
	s5 =	simm.s32 $0xFFFFFFFF;
	p2 =	slt.u32 s8, $0xFFFFF086  }
0x1c: {  	p1 =	slt.u32 s9, $0xF7A;
	s5 =	simm.s32 @!p2 $0x0  }
0x1d: {  	s5 =	simm.s32 @p1 $0x1;
	p0 =	seq.s32 s7, s2  }
0x1e: {  	s7 =	smul.u32 @!p0 $0xF7A, s2;
	p2 =	seq.s32 @!p0 s5, $0x0  }
0x1f: {  	s9 =	smul.u32 $0xF7A, s1;
	s8 =	simm.s32 @!p0 $0x1BF5;
	p2 =	por !p2, p0  }
0x20: {  	[sflag:s8] =	ssyncset.s32 @!p0 $0xFFFFF086;
	s6 =	sadd.s32 @!p0 s3, s7;
	s7 =	simm.s32 @!p0 $0x108  }
0x21: {  	s3 =	sadd.s32 s3, s9;
	s6 =	sadd.s32 @!p0 $0x88, s6;
	s7 =	simm.s32 @p2 $0x1082  }
0x22: {  	[simem:s7], [sflag:s8] =	dma.local @!p0 [hbm:s6], $0xF7A  }
0x23: {  	s9 =	sor.u32 $0xD0000000, s2;
	s6 =	simm.s32 $0x108;
	_ =	swait.ge @!p0 [sflag:s8], $0x0  }
0x24: {  	s3 =	sadd.s32 $0x88, s3;
	s6 =	simm.s32 @!p1 $0x1082;
	[sflag:s4] =	ssyncset.s32 $0xFFFFF086  }
0x25: {  	[simem:s6], [sflag:s4] =	dma.local [hbm:s3], $0xF7A  }
0x26: {  	[smem:$0x3F9D] =	sst s1;
	(tag) =	ssettag s2;
	_ =	strace s9  }
0x27: {  	s1 =	sld [smem:$0x3FAD]  }
0x28: {  	s2 =	sld [smem:$0x3FAE]  }
0x29: {  	s4 =	sld [smem:$0x3FB0]  }
0x2a: {  	p0 =	seq.s32 s5, $0x0;
	s5 =	sld [smem:$0x3FB1]  }
0x2b: {  	s6 =	sld [smem:$0x3FB2]  }
0x2c: {  	s7 =	sld [smem:$0x3FB3]  }
0x2d: {  	s3 =	simm.s32 $0x108;
	s8 =	sld [smem:$0x3FB4]  }
0x2e: {  	s3 =	simm.s32 @!p0 $0x1082;
	s9 =	sld [smem:$0x3FB5]  }
0x2f: {  	lr =	sadd.s32 s0, s3;
	s0 =	sld [smem:$0x3FAC]  }
0x30: {  	s3 =	sld [smem:$0x3FAF]  }
0x31: {  	[smem:$0x3FB8] =	sst s10  }
0x32: {  	s10 =	sld [smem:$0x3FB6];
	_ =	sdelay $0x3  }
0x33: {  	p0 =	seq.s32 s10, $0x1;
	s10 =	sld [smem:$0x3FB8];
	_ =	sdelay $0x3  }
0x34: {  	[smem:$0x3FB8] =	sst s10  }
0x35: {  	s10 =	sld [smem:$0x3FB7];
	_ =	sdelay $0x3  }
0x36: {  	p1 =	seq.s32 s10, $0x1;
	s10 =	sld [smem:$0x3FB8];
	_ =	sdelay $0x3  }
0x37: {  	[smem:$0x3FB8] =	sst s10  }
0x38: {  	s10 =	sld [smem:$0x3FB9]  }
0x39: {  	_ = 	snop;
	(pc) =	sbr.ind lr, $3  }
0x3a: {  	_ = 	snop  }
0x3b: {  	_ = 	snop  }
0x3c: {  	p2 =	seq.s32 s10, $0x1;
	s10 =	sld [smem:$0x3FB8]  }
0x3d: {  	_ =	shalt  }
0x3e: {  	_ =	shalt  }
0x3f: {  	_ =	shalt  }
0x40: {  	_ =	shalt  }
0x41: {  	_ =	shalt  }
0x42: {  	_ =	shalt  }
0x43: {  	_ =	shalt  }
0x44: {  	_ =	shalt  }
0x45: {  	_ =	shalt  }
0x46: {  	_ =	shalt  }
0x47: {  	_ =	shalt  }
0x48: {  	_ =	shalt  }
0x49: {  	_ =	shalt  }
0x4a: {  	_ =	shalt  }
0x4b: {  	_ =	shalt  }
0x4c: {  	_ =	shalt  }
0x4d: {  	_ =	shalt  }
0x4e: {  	_ =	shalt  }
0x4f: {  	_ =	shalt  }
0x50: {  	_ =	shalt  }
0x51: {  	_ =	shalt  }
0x52: {  	_ =	shalt  }
0x53: {  	_ =	shalt  }
0x54: {  	_ =	shalt  }
0x55: {  	_ =	shalt  }
0x56: {  	_ =	shalt  }
0x57: {  	_ =	shalt  }
0x58: {  	_ =	shalt  }
0x59: {  	_ =	shalt  }
0x5a: {  	_ =	shalt  }
0x5b: {  	_ =	shalt  }
0x5c: {  	_ =	shalt  }
0x5d: {  	_ =	shalt  }
0x5e: {  	_ =	shalt  }
0x5f: {  	_ =	shalt  }
0x60: {  	_ =	shalt  }
0x61: {  	_ =	shalt  }
0x62: {  	_ =	shalt  }
0x63: {  	_ =	shalt  }
0x64: {  	_ =	shalt  }
0x65: {  	_ =	shalt  }
0x66: {  	_ =	shalt  }
0x67: {  	_ =	shalt  }
0x68: {  	_ =	shalt  }
0x69: {  	_ =	shalt  }
0x6a: {  	_ =	shalt  }
0x6b: {  	_ =	shalt  }
0x6c: {  	_ =	shalt  }
0x6d: {  	_ =	shalt  }
0x6e: {  	_ =	shalt  }
0x6f: {  	_ =	shalt  }
0x70: {  	_ =	shalt  }
0x71: {  	_ =	shalt  }
0x72: {  	_ =	shalt  }
0x73: {  	_ =	shalt  }
0x74: {  	_ =	shalt  }
0x75: {  	_ =	shalt  }
0x76: {  	_ =	shalt  }
0x77: {  	_ =	shalt  }
0x78: {  	_ =	shalt  }
0x79: {  	_ =	shalt  }
0x7a: {  	_ =	shalt  }
0x7b: {  	_ =	shalt  }
0x7c: {  	_ =	shalt  }
0x7d: {  	_ =	shalt  }
0x7e: {  	_ =	shalt  }
0x7f: {  	_ =	shalt  }
0x80: {  	_ =	shalt  }
0x81: {  	_ =	shalt  }
0x82: {  	_ =	shalt  }
0x83: {  	_ =	shalt  }
0x84: {  	_ =	shalt  }
0x85: {  	_ =	shalt  }
0x86: {  	_ =	shalt  }
0x87: {  	_ =	shalt  }
.Lfunc_end0:
.L_simem_size_0:
called_computation_lowered:
.L_overlay_start_0:
0x88: {  	s2 =	sld [smem:$0x3FD9]  }
0x89: {  	s3 =	sld [smem:$0x3FFE];
	_ =	sdelay $0x1  }
0x8a: {  	s1 =	srdreg.scid  }
0x8b: {  	s0 =	sand.u32 $0x1, s1  }
0x8c: {  	s17 =	sshll.u32 s0, $0xA;
	s2 =	sadd.s32 s3, s2  }
0x8d: {  	s2 =	sadd.s32 s2, s17  }
0x8e: {  	[smem:$0x3FC4] =	sst s2  }
0x8f: {  	_ = 	snop  }
0x90: {  	s2 =	sld [smem:$0x3FD0];
	(tm) =	ssettm $0x1  }
0x91: {  	s18 =	sld [smem:$0x3FFB];
	_ =	sdelay $0x3  }
0x92: {  	_ =	strace s18  }
0x93: {  	s3 =	sld [smem:$0x3FFC];
	_ =	sdelay $0x3  }
0x94: {  	_ =	strace s3  }
0x95: {  	s3 =	sld [smem:$0x3FFD];
	_ =	sdelay $0x3  }
0x96: {  	_ =	strace s3  }
0x97: {  	_ =	strace $0x8FFFFFFF  }
0x98: {  	s19 =	sld [smem:$0x3FDB];
	_ =	sdelay $0x1  }
0x99: {  	s4 =	simm.s32 $_scs_section_size  }
0x9a: {  	s5 =	simm.s32 $_size__tile_overlayer_lowered;
	s6 =	simm.s32 $_tile_overlayer_lowered  }
0x9b: {  	s22 =	simm.s32 $0x1BFF;
	s21 =	sshll.u32 s6, $0x1;
	s3 =	sadd.s32 s4, s19  }
0x9c: {  	s7 =	simm.s32 $0x0;
	s20 =	sshll.u32 s5, $0x1;
	s5 =	sadd.s32 s21, s3  }
0x9d: {  	[timem:s7], [sflag:s22] =	dma.local [hbm:s5], s20  }
0x9e: {  	_ =	swait.ge [sflag:s22], s20  }
0x9f: {  	s4 =	ssub.s32 $0x0, s20;
	[sflag:s22] =	ssyncset.done $0x0  }
0xa0: {  	[sflag:s22] =	ssyncadd.s32 s4;
	_ =	sdelay $0x1  }
0xa1: {  	s23 =	simm.s32 $0x1B8B  }
0xa2: {  	_ =	swait.ge [sflag:s23], $0x1  }
0xa3: {  	[sflag:s23] =	ssyncset.done $0x0  }
0xa4: {  	s25 =	simm.s32 $0x1B8E;
	s24 =	sld [smem:$0x3FFE];
	[sflag:s23] =	ssyncadd.s32 $0xFFFFFFFF  }
0xa5: {  	s26 =	simm.s32 $execute0_lowered;
	[smem:$0x3FD2] =	sst s25  }
0xa6: {  	s5 =	sshll.u32 s26, $0x1;
	_ =	strace $0x80000046;
	[dreg:$0x1] =	wrdreg $0xFFFFFFFF  }
0xa7: {  	s28 =	simm.s32 $_size_execute0_lowered;
	s3 =	sadd.s32 s3, s5;
	[dreg:$0x0] =	wrdreg $0x0  }
0xa8: {  	s5 =	sshll.u32 s28, $0x1;
	[dreg:$0x2] =	wrdreg s3  }
0xa9: {  	[dreg:$0x3] =	wrdreg s5  }
0xaa: {  	[dreg:$0x4] =	wrdreg $0xC0  }
0xab: {  	_ =	task [dreg:s7], $0x5FFFF  }
0xac: {  	[dreg:$0x1] =	wrdreg $0xFFFFFFFF  }
0xad: {  	[dreg:$0x0] =	wrdreg $0x60  }
0xae: {  	[dreg:$0x2] =	wrdreg s24  }
0xaf: {  	[dreg:$0x3] =	wrdreg s2  }
0xb0: {  	[dreg:$0x4] =	wrdreg $0x3E000  }
0xb1: {  	[dreg:$0x5] =	wrdreg $0x9  }
0xb2: {  	_ =	task.clear_ibuf [dreg:s7], $0x6FFFF;
	_ =	strace $0x90000046  }
0xb3: {  	s29 =	simm.s32 $0x9;
	_ =	strace $0x80000048  }
0xb4: {  	_ =	swait.ge [sflag:s29], $0x1  }
0xb5: {  	[sflag:s29] =	ssyncadd.s32 $0xFFFFFFFF  }
0xb6: {  	_ =	strace $0x90000048  }
0xb7: {  	_ =	sfence  }
0xb8: {  	s30 =	sld [smem:$0x0];
	_ =	sdelay $0x2  }
0xb9: {  	s31 =	sshll.u32 s1, $0xD;
	s1 =	sshrl.u32 s1, $0x2  }
0xba: {  	s3 =	sand.u32 $0x4000, s31;
	s1 =	sadd.s32 s1, s30  }
0xbb: {  	s0 =	sor.u32 s3, s0;
	s1 =	sshll.u32 s1, $0x11  }
0xbc: {  	s0 =	sor.u32 s1, s0  }
0xbd: {  	s0 =	sadd.s32 $0x8F2B, s0  }
0xbe: {  	[sflag:s0] =	ssyncadd.remote.s32 $0x1  }
0xbf: {  	_ =	sfence.sel $0xFFFF  }
0xc0: {  	[dreg:$0x0] =	wrdreg $0xFFFFFFFF;
	(pc) =	sbr.abs _section_cstart, $3  }
0xc1: {  	[dreg:$0x1] =	wrdreg $0xFFFFFFFF  }
0xc2: {  	_ =	task.clear_ibuf [dreg:s7], $0x2FFFF;
	_ =	strace $0x9FFFFFFF  }
0xc3: {  	(tm) =	ssettm $0x7FFFFFFF  }
tec
execute0_lowered:
.L_overlay_start_1:
0x0: {  	(tag) =	ssettag $0x1  }
0x1: {  	s0 =	rddreg [dreg:$0x0]  }
0x2: {  	s2 =	rddreg [dreg:$0x2]  }
0x3: {  	s3 =	simm.s32 $0x0;
	s4 =	srdreg.scid;
	s1 =	stileid.u32  }
0x4: {  	[smem:$0x7FF] =	sst s3;
	s13 =	sand.u32 $0x1, s4;
	s30 =	smul.u32 $0x50000, s1  }
0x5: {  	s0 =	sadd.s32 $0x5A00, s0;
	s12 =	sadd.s32 $0x12C000, s2;
	s18 =	sadd.s32 $0x12E800, s2  }
0x6: {  	s19 =	smul.u32 $0x14000, s1;
	s20 =	sadd.s32 $0x131000, s2;
	s21 =	sadd.s32 $0x133800, s2  }
0x7: {  	s31 =	smul.u32 $0x1388, s1;
	s24 =	sadd.s32 $0x136000, s2;
	p0 =	seq.s32 s1, $0xF  }
0x8: {  	s14 =	rddreg [dreg:$0x1];
	_ =	strace $0x80000047;
	s16 =	smul.u32 $0x138800, s13  }
0x9: {  	s5 =	ssub.s32 $0x2, s13;
	s7 =	sshll.u32 s13, $0x4;
	s23 =	smul.u32 $0x13880, s13  }
0xa: {  	s6 =	sshrl.u32 s5, $0x1;
	s4 =	sshrl.u32 s30, $0x2;
	s10 =	sor.u32 s1, s7  }
0xb: {  	s17 =	ssub.s32 s5, s6;
	s4 =	sadd.s32 s4, s2;
	s15 =	smul.u32 $0x1388, s10  }
0xc: {  	s19 =	sadd.s32 s19, s16;
	s16 =	sshrl.u32 s16, $0x3;
	s5 =	sadd.s32 $0x2800, s4  }
0xd: {  	s6 =	sadd.s32 $0x5000, s4;
	s7 =	sadd.s32 $0x7800, s4;
	s8 =	sadd.s32 $0xA000, s4  }
0xe: {  	s9 =	sadd.s32 $0xC800, s4;
	s10 =	sadd.s32 $0xF000, s4;
	s11 =	sadd.s32 $0x11800, s4  }
0xf: {  	s19 =	sshrl.u32 s19, $0x3;
	s16 =	sadd.s32 s14, s16;
	s17 =	smax.u32 s17, $0x1  }
0x10: {  	s22 =	sadd.s32 $0x28, s15;
	s15 =	sshrl.u32 s15, $0x3;
	s13 =	sadd.s32 s14, s19  }
0x11: {  	s16 =	sadd.s32 $0x25800, s16;
	s19 =	sadd.s32 s31, s23;
	s7 =	smov.u32 @p0 s12  }
0x12: {  	s8 =	smov.u32 @p0 s18;
	s9 =	smov.u32 @p0 s20;
	s10 =	smov.u32 @p0 s21  }
0x13: {  	s11 =	smov.u32 @p0 s24;
	s20 =	simm.s32 $0x4;
	s23 =	simm.s32 $0x28  }
0x14: {  	s24 =	simm.s32 $0x0;
	s22 =	sshrl.u32 s22, $0x3;
	s19 =	sadd.s32 $0x50, s19  }
0x15: {  	s14 =	sadd.s32 s0, s15;
	s15 =	sadd.s32 s0, s22;
	s19 =	sshrl.u32 s19, $0x3  }
0x16: {  	v0 =	vimm.f32 $1.000000000e+00;
	v1 =	vimm.f32 $0.0e+00;
	s22 =	simm.s32 $0x1480;
	s18 =	sadd.s32 s19, s0;
	s19 =	simm.s32 $0x1600  }
.LBB2_1:
0x17: {  	s25 =	simm.s32 $0x0;
	s26 =	simm.s32 $0x200  }
.LBB2_2:
0x18: {  	p1 =	sne.s32 s26, $0x4E00;
	[tilespmem:s25+$0x70] =	vst v0  }
0x19: {  	[tilespmem:s25+$0x0] =	vst v0  }
0x1a: {  	[tilespmem:s25+$0x10] =	vst v0  }
.Ltmp0:
0x1b: {  	[tilespmem:s25+$0x20] =	vst v0;
	(pc) =	sbr.rel @p1 .LBB2_2-.Ltmp0, $4  }
0x1c: {  	[tilespmem:s25+$0x30] =	vst v0  }
0x1d: {  	[tilespmem:s25+$0x40] =	vst v0  }
0x1e: {  	[tilespmem:s25+$0x50] =	vst v0  }
0x1f: {  	[tilespmem:s25+$0x60] =	vst v0;
	s25 =	sshra.s32 s26, $0x2;
	s26 =	sadd.s32 $0x200, s26  }
0x20: {  	[tilespmem:s25+$0x70] =	vst v0  }
0x21: {  	[tilespmem:s25+$0x0] =	vst v0  }
0x22: {  	[tilespmem:s25+$0x10] =	vst v0  }
0x23: {  	[tilespmem:s25+$0x20] =	vst v0  }
0x24: {  	[tilespmem:s25+$0x30] =	vst v0  }
0x25: {  	[tilespmem:s25+$0x40] =	vst v0  }
0x26: {  	[tilespmem:s25+$0x50] =	vst v0  }
0x27: {  	[tilespmem:s25+$0x60] =	vst v0;
	s25 =	simm.s32 $0x0;
	s26 =	simm.s32 $0x200  }
.LBB2_4:
0x28: {  	p1 =	sne.s32 s26, $0x9E00;
	[tilespmem:s25+$0x1670] =	vst v1  }
0x29: {  	[tilespmem:s25+$0x1600] =	vst v1  }
0x2a: {  	[tilespmem:s25+$0x1610] =	vst v1  }
.Ltmp1:
0x2b: {  	[tilespmem:s25+$0x1620] =	vst v1;
	(pc) =	sbr.rel @p1 .LBB2_4-.Ltmp1, $4  }
0x2c: {  	[tilespmem:s25+$0x1630] =	vst v1  }
0x2d: {  	[tilespmem:s25+$0x1640] =	vst v1  }
0x2e: {  	[tilespmem:s25+$0x1650] =	vst v1  }
0x2f: {  	[tilespmem:s25+$0x1660] =	vst v1;
	s25 =	sshra.s32 s26, $0x2;
	s26 =	sadd.s32 $0x200, s26  }
0x30: {  	[tilespmem:s25+$0x1670] =	vst v1  }
0x31: {  	[tilespmem:s25+$0x1600] =	vst v1  }
0x32: {  	[tilespmem:s25+$0x1610] =	vst v1  }
0x33: {  	[tilespmem:s25+$0x1620] =	vst v1  }
0x34: {  	[tilespmem:s25+$0x1630] =	vst v1  }
0x35: {  	[tilespmem:s25+$0x1640] =	vst v1  }
0x36: {  	[tilespmem:s25+$0x1650] =	vst v1  }
0x37: {  	[tilespmem:s25+$0x1660] =	vst v1;
	s0 =	simm.s32 @!p0 $0x1600;
	s25 =	simm.s32 @!p0 $0x4  }
0x38: {  	[spmem:s4] =	stream.linear.scatter @!p0 [tilespmem:s0], [sflag:$0x4], $0x2800, $0x38;
	[tilespmem:$0x17680] =	vst v63  }
0x39: {  	_ =	swait.ge @!p0 [sflag:s25], $0x2800  }
0x3a: {  	[sflag:s25] =	ssyncset.done @!p0 $0x0  }
0x3b: {  	[sflag:s25] =	ssyncadd.s32 @!p0 $0xFFFFD800  }
0x3c: {  	[spmem:s5] =	stream.linear.scatter @!p0 [tilespmem:s0], [sflag:$0x4], $0x2800, $0x38;
	[tilespmem:$0x17680] =	vst v63  }
0x3d: {  	_ =	swait.ge @!p0 [sflag:s25], $0x2800  }
0x3e: {  	[sflag:s25] =	ssyncset.done @!p0 $0x0  }
0x3f: {  	[sflag:s25] =	ssyncadd.s32 @!p0 $0xFFFFD800  }
0x40: {  	[spmem:s6] =	stream.linear.scatter @!p0 [tilespmem:s0], [sflag:$0x4], $0x2800, $0x38;
	[tilespmem:$0x17680] =	vst v63  }
0x41: {  	_ =	swait.ge @!p0 [sflag:s25], $0x2800  }
0x42: {  	[sflag:s25] =	ssyncset.done @!p0 $0x0  }
0x43: {  	[sflag:s25] =	ssyncadd.s32 @!p0 $0xFFFFD800  }
0x44: {  	[spmem:s7] =	stream.linear.scatter [tilespmem:s19], [sflag:$0x4], $0x2800, $0x38;
	[tilespmem:$0x17680] =	vst v63  }
0x45: {  	_ =	swait.ge [sflag:s20], $0x2800  }
0x46: {  	[sflag:s20] =	ssyncset.done $0x0  }
0x47: {  	[sflag:s20] =	ssyncadd.s32 $0xFFFFD800  }
0x48: {  	[spmem:s8] =	stream.linear.scatter [tilespmem:s19], [sflag:$0x4], $0x2800, $0x38;
	[tilespmem:$0x17680] =	vst v63  }
0x49: {  	_ =	swait.ge [sflag:s20], $0x2800  }
0x4a: {  	[sflag:s20] =	ssyncset.done $0x0  }
0x4b: {  	[sflag:s20] =	ssyncadd.s32 $0xFFFFD800  }
0x4c: {  	[spmem:s9] =	stream.linear.scatter [tilespmem:s19], [sflag:$0x4], $0x2800, $0x38;
	[tilespmem:$0x17680] =	vst v63  }
0x4d: {  	_ =	swait.ge [sflag:s20], $0x2800  }
0x4e: {  	p1 =	por $0x0, $0x0;
	s0 =	simm.s32 $0x2;
	[sflag:s20] =	ssyncset.done $0x0  }
0x4f: {  	s0 =	smul.u32 @!p1 $0xAB, s0;
	[sflag:s20] =	ssyncadd.s32 $0xFFFFD800  }
0x50: {  	[spmem:s10] =	stream.linear.scatter [tilespmem:s19], [sflag:$0x4], $0x2800, $0x38;
	[tilespmem:$0x17680] =	vst v63  }
0x51: {  	_ =	swait.ge [sflag:s20], $0x2800  }
0x52: {  	s1 =	simm.s32 $0x0;
	s0 =	sshrl.u32 @!p1 s0, $0x9;
	[sflag:s20] =	ssyncset.done $0x0  }
0x53: {  	s25 =	smul.u32 $0xAB, s1;
	s0 =	sand.u32 @!p1 $0x7F, s0;
	[sflag:s20] =	ssyncadd.s32 $0xFFFFD800  }
0x54: {  	[spmem:s11] =	stream.linear.scatter [tilespmem:s19], [sflag:$0x4], $0x2800, $0x38;
	[tilespmem:$0x17680] =	vst v63  }
0x55: {  	s26 =	simm.s32 $0x1400;
	s0 =	smul.u32 @!p1 $0x3, s0;
	_ =	swait.ge [sflag:s20], $0x2800  }
0x56: {  	s29 =	simm.s32 $0x3;
	s25 =	sshrl.u32 s25, $0x9;
	[sflag:s20] =	ssyncset.done $0x0  }
0x57: {  	s25 =	sand.u32 $0x7F, s25;
	s0 =	ssub.s32 @!p1 $0x2, s0;
	[sflag:s20] =	ssyncadd.s32 $0xFFFFD800  }
0x58: {  	s25 =	smul.u32 $0x3, s25;
	s0 =	sand.u32 @!p1 $0xFF, s0;
	[bflag:$0x0] =	sbarrier.arrive $0xFFFF  }
0x59: {  	[tilespmem:s26], [sflag:$0x1] =	stream.linear.gather [hbm4b:s14+s3], $0x28, $0x38;
	[tilespmem:$0x17680] =	vst v63  }
0x5a: {  	s25 =	ssub.s32 $0x0, s25;
	s28 =	sshll.u32 @!p1 s0, $0x7;
	s0 =	sadd.s32 @!p1 $0x1, s0  }
0x5b: {  	[tilespmem:s22], [sflag:$0x2] =	stream.linear.gather [hbm4b:s15+s3], $0x28, $0x38;
	[tilespmem:$0x17680] =	vst v63  }
0x5c: {  	s25 =	sand.u32 $0xFF, s25;
	s28 =	sor.u32 @!p1 $0x1400, s28;
	s26 =	simm.s32 @!p1 $0x0  }
0x5d: {  	[tilespmem:s28], [sflag:s0] =	stream.linear.gather @!p1 [hbm4b:s18+s26], $0x28, $0x38;
	[tilespmem:$0x17680] =	vst v63  }
0x5e: {  	s21 =	sadd.s32 $0x1, s25;
	s1 =	sshll.u32 s25, $0x7;
	p1 =	por $0x0, $0x0  }
0x5f: {  	s28 =	simm.s32 $0x1;
	_ =	swait.ge [sflag:s21], $0x28;
	s30 =	smul.u32 @!p1 $0xAB, s29  }
0x60: {  	s25 =	sadd.s32 $0x5, s18;
	s31 =	smul.u32 $0xAB, s28;
	[sflag:s21] =	ssyncset.done $0x0  }
0x61: {  	s26 =	simm.s32 $0x4;
	[sflag:s21] =	ssyncadd.s32 $0xFFFFFFD8;
	s0 =	sshrl.u32 @!p1 s30, $0x9  }
0x62: {  	s31 =	sshrl.u32 s31, $0x9;
	s30 =	sadd.s32 $0x1400, s1;
	s0 =	sand.u32 @!p1 $0x7F, s0  }
.LBB2_6:
0x63: {  	s1 =	sand.u32 $0x7F, s31  }
0x64: {  	s0 =	smul.u32 @!p1 $0x3, s0;
	s31 =	smov.u32 s26;
	s26 =	sadd.s32 $0x1, s26  }
0x65: {  	[spmem:s2] =	stream.indirect.scatter.add.f32 [tilespmem:s3], [sflag:$0x4], $0x80, s30, s23, $0xb8;
	[tilespmem:$0x17680] =	vst v63  }
0x66: {  	s1 =	smul.u32 $0x3, s1  }
0x67: {  	p2 =	sne.s32 s26, $0x7F;
	s0 =	ssub.s32 @!p1 s29, s0;
	_ =	swait.ge [sflag:s20], $0x1400  }
0x68: {  	s29 =	simm.s32 @!p1 $0x0;
	s0 =	sand.u32 @!p1 $0xFF, s0;
	[sflag:s20] =	ssyncset.done $0x0  }
0x69: {  	s1 =	ssub.s32 s28, s1;
	s28 =	sshll.u32 @!p1 s0, $0x7;
	s0 =	sadd.s32 @!p1 $0x1, s0  }
0x6a: {  	s1 =	sand.u32 $0xFF, s1;
	s28 =	sor.u32 @!p1 $0x1400, s28;
	[sflag:s20] =	ssyncadd.s32 $0xFFFFEC00  }
0x6b: {  	[tilespmem:s28], [sflag:s0] =	stream.linear.gather @!p1 [hbm4b:s25+s29], $0x28, $0x38;
	[tilespmem:$0x17680] =	vst v63  }
0x6c: {  	s28 =	sadd.s32 $0xFFFFFFFE, s31;
	s0 =	sadd.s32 $0x1, s1;
	s1 =	sshll.u32 s1, $0x7  }
.Ltmp2:
0x6d: {  	p1 =	sgt.u32 s28, $0x7A;
	_ =	swait.ge [sflag:s0], $0x28;
	(pc) =	sbr.rel @p2 .LBB2_6-.Ltmp2, $4  }
0x6e: {  	s30 =	smul.u32 @!p1 $0xAB, s31;
	[sflag:s0] =	ssyncset.done $0x0  }
0x6f: {  	s29 =	smov.u32 s31;
	s21 =	smul.u32 $0xAB, s28;
	[sflag:s0] =	ssyncadd.s32 $0xFFFFFFD8  }
0x70: {  	s25 =	sadd.s32 $0x5, s25;
	s0 =	sshrl.u32 @!p1 s30, $0x9  }
0x71: {  	s31 =	sshrl.u32 s21, $0x9;
	s30 =	sadd.s32 $0x1400, s1;
	s0 =	sand.u32 @!p1 $0x7F, s0  }
0x72: {  	s1 =	sand.u32 $0x7F, s31;
	s0 =	smul.u32 @!p1 $0x3, s0  }
0x73: {  	[spmem:s2] =	stream.indirect.scatter.add.f32 [tilespmem:s3], [sflag:$0x4], $0x80, s30, s23, $0xb8;
	[tilespmem:$0x17680] =	vst v63  }
0x74: {  	s1 =	smul.u32 $0x3, s1  }
0x75: {  	s21 =	simm.s32 @!p1 $0x0;
	_ =	swait.ge [sflag:s20], $0x1400;
	s0 =	ssub.s32 @!p1 s29, s0  }
0x76: {  	[sflag:s20] =	ssyncset.done $0x0;
	s0 =	sand.u32 @!p1 $0xFF, s0;
	s1 =	ssub.s32 s28, s1  }
0x77: {  	[sflag:s20] =	ssyncadd.s32 $0xFFFFEC00;
	s26 =	sshll.u32 @!p1 s0, $0x7;
	s1 =	sand.u32 $0xFF, s1  }
0x78: {  	s0 =	sadd.s32 @!p1 $0x1, s0;
	s26 =	sor.u32 @!p1 $0x1400, s26;
	s30 =	sadd.s32 $0x1, s1  }
0x79: {  	[tilespmem:s26], [sflag:s0] =	stream.linear.gather @!p1 [hbm4b:s25+s21], $0x28, $0x38;
	[tilespmem:$0x17680] =	vst v63  }
0x7a: {  	_ =	swait.ge [sflag:s30], $0x28  }
0x7b: {  	s1 =	sshll.u32 s1, $0x7;
	[sflag:s30] =	ssyncset.done $0x0  }
0x7c: {  	s31 =	sadd.s32 $0x1400, s1;
	[sflag:s30] =	ssyncadd.s32 $0xFFFFFFD8  }
0x7d: {  	[spmem:s2] =	stream.indirect.scatter.add.f32 [tilespmem:s3], [sflag:$0x4], $0x80, s31, s23, $0xb8;
	[tilespmem:$0x17680] =	vst v63  }
0x7e: {  	_ =	swait.ge [sflag:s20], $0x1400  }
0x7f: {  	[sflag:s20] =	ssyncset.done $0x0  }
0x80: {  	[sflag:s20] =	ssyncadd.s32 $0xFFFFEC00  }
0x81: {  	s0 =	sshrl.u32 @p0 s12, $0x3;
	s1 =	simm.s32 @p0 $0x1FC4;
	[bflag:$0x0] =	sbarrier.arrive $0xFFFF  }
0x82: {  	[hbm:s16], [sflag:s1] =	dma.local @p0 [spmem:s0], $0x1900  }
0x83: {  	s0 =	simm.s32 @p0 $0x4  }
0x84: {  	s24 =	sadd.s32 $0x1, s24;
	s1 =	stileid.u32;
	_ =	swait.ge @p0 [sflag:s0], $0x1900  }
0x85: {  	p1 =	sne.s32 s24, s17;
	s1 =	sshll.u32 @!p0 s1, $0x6;
	[sflag:s0] =	ssyncset.done @p0 $0x0  }
0x86: {  	[sflag:s0] =	ssyncadd.s32 @p0 $0xFFFFE700;
	s0 =	sor.u32 @!p0 $0x1C04, s1;
	s1 =	sshrl.u32 @!p0 s4, $0x3  }
0x87: {  	[hbm:s13], [sflag:s0] =	dma.local @!p0 [spmem:s1], $0x2800  }
.Ltmp3:
0x88: {  	_ = 	snop;
	(pc) =	sbr.rel @p1 .LBB2_1-.Ltmp3, $4  }
0x89: {  	s0 =	simm.s32 @!p0 $0x4  }
0x8a: {  	_ =	swait.ge @!p0 [sflag:s0], $0x2800  }
0x8b: {  	[sflag:s0] =	ssyncset.done @!p0 $0x0  }
0x8c: {  	[sflag:s0] =	ssyncadd.s32 @!p0 $0xFFFFD800  }
0x8d: {  	_ =	sfence.sel $0x180000  }
0x8e: {  	[bflag:$0x0] =	sbarrier.arrive $0xFFFF  }
0x8f: {  	_ =	strace $0x90000047  }
0x90: {  	s0 =	stileid.u32;
	[bflag:$0x2] =	sbarrier.arrive $0xFFFF  }
0x91: {  	p0 =	sne.s32 s0, $0x0;
	s0 =	rddreg [dreg:$0x3]  }
0x92: {  	s0 =	sadd.s32 @!p0 $0x100000, s0  }
0x93: {  	[sflag:s0] =	ssyncadd.tile.s32 @!p0 $0x1;
	_ =	shalt  }
.Lfunc_end2:
_tile_overlayer_lowered:
.L_overlay_start_2:
0x94: {  	(tag) =	ssettag $0x2  }
0x95: {  	s0 =	rddreg [dreg:$0x0];
	s2 =	stileid.u32  }
0x96: {  	s1 =	rddreg [dreg:$0x1];
	p0 =	sne.s32 s2, $0x0  }
0x97: {  	s3 =	rddreg [dreg:$0x2];
	[bflag:$0x3] =	sbarrier.arrive $0xFFFF;
	s2 =	simm.s32 @!p0 $0x1C04  }
0x98: {  	[timem:s3], [sflag:s2] =	dma.local @!p0 [hbm:s0], s1  }
0x99: {  	s0 =	simm.s32 @!p0 $0x4  }
0x9a: {  	_ =	swait.ge @!p0 [sflag:s0], s1  }
0x9b: {  	s1 =	ssub.s32 @!p0 $0x0, s1;
	[sflag:s0] =	ssyncset.done @!p0 $0x0  }
0x9c: {  	[sflag:s0] =	ssyncadd.s32 @!p0 s1  }
0x9d: {  	[bflag:$0x3] =	sbarrier.arrive $0xFFFF  }
0x9e: {  	_ =	shalt  }

// kernel: kernel.9.cloned.1.call-start
scs
__scs_entry_jumppad:
0x0: {  	(pc) =	sbr.rel $0x88, $3  }
0x1: {  	(tag) =	ssettag $0x0;
	lr =	simm.s32 $0x1  }
0x2: {  	[smem:$0x3F9D] =	sst lr;
	_ =	strace $0xD0000000  }
0x3: {  	_ = 	snop  }
0x4: {  	_ = 	snop  }
0x5: {  	_ = 	snop  }
0x6: {  	_ = 	snop  }
0x7: {  	_ = 	snop  }
__scs_overlays_trampoline_lowered:
0x8: {  	[smem:$0x3FAC] =	sst s0  }
0x9: {  	[smem:$0x3FAD] =	sst s1  }
0xa: {  	[smem:$0x3FAE] =	sst s2  }
0xb: {  	[smem:$0x3FAF] =	sst s3  }
0xc: {  	[smem:$0x3FB0] =	sst s4  }
0xd: {  	[smem:$0x3FB1] =	sst s5  }
0xe: {  	[smem:$0x3FB2] =	sst s6  }
0xf: {  	[smem:$0x3FB3] =	sst s7  }
0x10: {  	[smem:$0x3FB4] =	sst s8  }
0x11: {  	[smem:$0x3FB5] =	sst s9;
	s0 =	simm.s32 @!p0 $0x0  }
0x12: {  	s1 =	sld [smem:$0x3F9B];
	s0 =	simm.s32 @p0 $0x1  }
0x13: {  	[smem:$0x3FB6] =	sst s0;
	s0 =	simm.s32 @!p1 $0x0  }
0x14: {  	s2 =	sld [smem:$0x3F9A];
	s0 =	simm.s32 @p1 $0x1  }
0x15: {  	[smem:$0x3FB7] =	sst s0;
	s0 =	simm.s32 @!p2 $0x0  }
0x16: {  	s3 =	sld [smem:$0x3FDB];
	s0 =	simm.s32 @p2 $0x1  }
0x17: {  	s4 =	simm.s32 $0x1BF5;
	[smem:$0x3FB9] =	sst s0  }
0x18: {  	s0 =	sld [smem:$0x3F9C];
	_ =	swait.ge [sflag:s4], $0x0  }
0x19: {  	s7 =	sld [smem:$0x3F9D]  }
0x1a: {  	s8 =	sadd.s32 $0xFFFFE003, lr  }
0x1b: {  	s9 =	sadd.s32 $0xFFFFFEF7, lr;
	s5 =	simm.s32 $0xFFFFFFFF;
	p2 =	slt.u32 s8, $0xFFFFF086  }
0x1c: {  	p1 =	slt.u32 s9, $0xF7A;
	s5 =	simm.s32 @!p2 $0x0  }
0x1d: {  	s5 =	simm.s32 @p1 $0x1;
	p0 =	seq.s32 s7, s2  }
0x1e: {  	s7 =	smul.u32 @!p0 $0xF7A, s2;
	p2 =	seq.s32 @!p0 s5, $0x0  }
0x1f: {  	s9 =	smul.u32 $0xF7A, s1;
	s8 =	simm.s32 @!p0 $0x1BF5;
	p2 =	por !p2, p0  }
0x20: {  	[sflag:s8] =	ssyncset.s32 @!p0 $0xFFFFF086;
	s6 =	sadd.s32 @!p0 s3, s7;
	s7 =	simm.s32 @!p0 $0x108  }
0x21: {  	s3 =	sadd.s32 s3, s9;
	s6 =	sadd.s32 @!p0 $0x88, s6;
	s7 =	simm.s32 @p2 $0x1082  }
0x22: {  	[simem:s7], [sflag:s8] =	dma.local @!p0 [hbm:s6], $0xF7A  }
0x23: {  	s9 =	sor.u32 $0xD0000000, s2;
	s6 =	simm.s32 $0x108;
	_ =	swait.ge @!p0 [sflag:s8], $0x0  }
0x24: {  	s3 =	sadd.s32 $0x88, s3;
	s6 =	simm.s32 @!p1 $0x1082;
	[sflag:s4] =	ssyncset.s32 $0xFFFFF086  }
0x25: {  	[simem:s6], [sflag:s4] =	dma.local [hbm:s3], $0xF7A  }
0x26: {  	[smem:$0x3F9D] =	sst s1;
	(tag) =	ssettag s2;
	_ =	strace s9  }
0x27: {  	s1 =	sld [smem:$0x3FAD]  }
0x28: {  	s2 =	sld [smem:$0x3FAE]  }
0x29: {  	s4 =	sld [smem:$0x3FB0]  }
0x2a: {  	p0 =	seq.s32 s5, $0x0;
	s5 =	sld [smem:$0x3FB1]  }
0x2b: {  	s6 =	sld [smem:$0x3FB2]  }
0x2c: {  	s7 =	sld [smem:$0x3FB3]  }
0x2d: {  	s3 =	simm.s32 $0x108;
	s8 =	sld [smem:$0x3FB4]  }
0x2e: {  	s3 =	simm.s32 @!p0 $0x1082;
	s9 =	sld [smem:$0x3FB5]  }
0x2f: {  	lr =	sadd.s32 s0, s3;
	s0 =	sld [smem:$0x3FAC]  }
0x30: {  	s3 =	sld [smem:$0x3FAF]  }
0x31: {  	[smem:$0x3FB8] =	sst s10  }
0x32: {  	s10 =	sld [smem:$0x3FB6];
	_ =	sdelay $0x3  }
0x33: {  	p0 =	seq.s32 s10, $0x1;
	s10 =	sld [smem:$0x3FB8];
	_ =	sdelay $0x3  }
0x34: {  	[smem:$0x3FB8] =	sst s10  }
0x35: {  	s10 =	sld [smem:$0x3FB7];
	_ =	sdelay $0x3  }
0x36: {  	p1 =	seq.s32 s10, $0x1;
	s10 =	sld [smem:$0x3FB8];
	_ =	sdelay $0x3  }
0x37: {  	[smem:$0x3FB8] =	sst s10  }
0x38: {  	s10 =	sld [smem:$0x3FB9]  }
0x39: {  	_ = 	snop;
	(pc) =	sbr.ind lr, $3  }
0x3a: {  	_ = 	snop  }
0x3b: {  	_ = 	snop  }
0x3c: {  	p2 =	seq.s32 s10, $0x1;
	s10 =	sld [smem:$0x3FB8]  }
0x3d: {  	_ =	shalt  }
0x3e: {  	_ =	shalt  }
0x3f: {  	_ =	shalt  }
0x40: {  	_ =	shalt  }
0x41: {  	_ =	shalt  }
0x42: {  	_ =	shalt  }
0x43: {  	_ =	shalt  }
0x44: {  	_ =	shalt  }
0x45: {  	_ =	shalt  }
0x46: {  	_ =	shalt  }
0x47: {  	_ =	shalt  }
0x48: {  	_ =	shalt  }
0x49: {  	_ =	shalt  }
0x4a: {  	_ =	shalt  }
0x4b: {  	_ =	shalt  }
0x4c: {  	_ =	shalt  }
0x4d: {  	_ =	shalt  }
0x4e: {  	_ =	shalt  }
0x4f: {  	_ =	shalt  }
0x50: {  	_ =	shalt  }
0x51: {  	_ =	shalt  }
0x52: {  	_ =	shalt  }
0x53: {  	_ =	shalt  }
0x54: {  	_ =	shalt  }
0x55: {  	_ =	shalt  }
0x56: {  	_ =	shalt  }
0x57: {  	_ =	shalt  }
0x58: {  	_ =	shalt  }
0x59: {  	_ =	shalt  }
0x5a: {  	_ =	shalt  }
0x5b: {  	_ =	shalt  }
0x5c: {  	_ =	shalt  }
0x5d: {  	_ =	shalt  }
0x5e: {  	_ =	shalt  }
0x5f: {  	_ =	shalt  }
0x60: {  	_ =	shalt  }
0x61: {  	_ =	shalt  }
0x62: {  	_ =	shalt  }
0x63: {  	_ =	shalt  }
0x64: {  	_ =	shalt  }
0x65: {  	_ =	shalt  }
0x66: {  	_ =	shalt  }
0x67: {  	_ =	shalt  }
0x68: {  	_ =	shalt  }
0x69: {  	_ =	shalt  }
0x6a: {  	_ =	shalt  }
0x6b: {  	_ =	shalt  }
0x6c: {  	_ =	shalt  }
0x6d: {  	_ =	shalt  }
0x6e: {  	_ =	shalt  }
0x6f: {  	_ =	shalt  }
0x70: {  	_ =	shalt  }
0x71: {  	_ =	shalt  }
0x72: {  	_ =	shalt  }
0x73: {  	_ =	shalt  }
0x74: {  	_ =	shalt  }
0x75: {  	_ =	shalt  }
0x76: {  	_ =	shalt  }
0x77: {  	_ =	shalt  }
0x78: {  	_ =	shalt  }
0x79: {  	_ =	shalt  }
0x7a: {  	_ =	shalt  }
0x7b: {  	_ =	shalt  }
0x7c: {  	_ =	shalt  }
0x7d: {  	_ =	shalt  }
0x7e: {  	_ =	shalt  }
0x7f: {  	_ =	shalt  }
0x80: {  	_ =	shalt  }
0x81: {  	_ =	shalt  }
0x82: {  	_ =	shalt  }
0x83: {  	_ =	shalt  }
0x84: {  	_ =	shalt  }
0x85: {  	_ =	shalt  }
0x86: {  	_ =	shalt  }
0x87: {  	_ =	shalt  }
.Lfunc_end0:
.L_simem_size_0:
called_computation.1_lowered:
.L_overlay_start_0:
0x88: {  	s2 =	sld [smem:$0x3FD9]  }
0x89: {  	s3 =	sld [smem:$0x3FFE];
	_ =	sdelay $0x1  }
0x8a: {  	s1 =	srdreg.scid  }
0x8b: {  	s0 =	sand.u32 $0x1, s1  }
0x8c: {  	s17 =	sshll.u32 s0, $0xA;
	s2 =	sadd.s32 s3, s2  }
0x8d: {  	s2 =	sadd.s32 s2, s17  }
0x8e: {  	[smem:$0x3FC4] =	sst s2  }
0x8f: {  	_ = 	snop  }
0x90: {  	s2 =	sld [smem:$0x3FD0];
	(tm) =	ssettm $0x1  }
0x91: {  	s18 =	sld [smem:$0x3FFB];
	_ =	sdelay $0x3  }
0x92: {  	_ =	strace s18  }
0x93: {  	s3 =	sld [smem:$0x3FFC];
	_ =	sdelay $0x3  }
0x94: {  	_ =	strace s3  }
0x95: {  	s3 =	sld [smem:$0x3FFD];
	_ =	sdelay $0x3  }
0x96: {  	_ =	strace s3  }
0x97: {  	_ =	strace $0x8FFFFFFF  }
0x98: {  	s19 =	sld [smem:$0x3FDB];
	_ =	sdelay $0x1  }
0x99: {  	s4 =	simm.s32 $_scs_section_size  }
0x9a: {  	s5 =	simm.s32 $_size__tile_overlayer_lowered;
	s6 =	simm.s32 $_tile_overlayer_lowered  }
0x9b: {  	s22 =	simm.s32 $0x1BFF;
	s21 =	sshll.u32 s6, $0x1;
	s3 =	sadd.s32 s4, s19  }
0x9c: {  	s7 =	simm.s32 $0x0;
	s20 =	sshll.u32 s5, $0x1;
	s5 =	sadd.s32 s21, s3  }
0x9d: {  	[timem:s7], [sflag:s22] =	dma.local [hbm:s5], s20  }
0x9e: {  	_ =	swait.ge [sflag:s22], s20  }
0x9f: {  	s4 =	ssub.s32 $0x0, s20;
	[sflag:s22] =	ssyncset.done $0x0  }
0xa0: {  	[sflag:s22] =	ssyncadd.s32 s4;
	_ =	sdelay $0x1  }
0xa1: {  	s23 =	simm.s32 $0x1B8B  }
0xa2: {  	_ =	swait.ge [sflag:s23], $0x1  }
0xa3: {  	[sflag:s23] =	ssyncset.done $0x0  }
0xa4: {  	s25 =	simm.s32 $0x1B8E;
	s24 =	sld [smem:$0x3FFE];
	[sflag:s23] =	ssyncadd.s32 $0xFFFFFFFF  }
0xa5: {  	s26 =	simm.s32 $execute0_lowered;
	[smem:$0x3FD2] =	sst s25  }
0xa6: {  	s5 =	sshll.u32 s26, $0x1;
	_ =	strace $0x80000049;
	[dreg:$0x1] =	wrdreg $0xFFFFFFFF  }
0xa7: {  	s28 =	simm.s32 $_size_execute0_lowered;
	s3 =	sadd.s32 s3, s5;
	[dreg:$0x0] =	wrdreg $0x0  }
0xa8: {  	s5 =	sshll.u32 s28, $0x1;
	[dreg:$0x2] =	wrdreg s3  }
0xa9: {  	[dreg:$0x3] =	wrdreg s5  }
0xaa: {  	[dreg:$0x4] =	wrdreg $0xC0  }
0xab: {  	_ =	task [dreg:s7], $0x5FFFF  }
0xac: {  	[dreg:$0x1] =	wrdreg $0xFFFFFFFF  }
0xad: {  	[dreg:$0x0] =	wrdreg $0x60  }
0xae: {  	[dreg:$0x2] =	wrdreg s2  }
0xaf: {  	[dreg:$0x3] =	wrdreg s24  }
0xb0: {  	[dreg:$0x4] =	wrdreg $0xA4000  }
0xb1: {  	[dreg:$0x5] =	wrdreg $0x9  }
0xb2: {  	_ =	task.clear_ibuf [dreg:s7], $0x6FFFF;
	_ =	strace $0x90000049  }
0xb3: {  	s29 =	simm.s32 $0x9;
	_ =	strace $0x8000004B  }
0xb4: {  	_ =	swait.ge [sflag:s29], $0x1  }
0xb5: {  	[sflag:s29] =	ssyncadd.s32 $0xFFFFFFFF  }
0xb6: {  	_ =	strace $0x9000004B  }
0xb7: {  	_ =	sfence  }
0xb8: {  	s30 =	sld [smem:$0x0];
	_ =	sdelay $0x2  }
0xb9: {  	s31 =	sshll.u32 s1, $0xD;
	s1 =	sshrl.u32 s1, $0x2  }
0xba: {  	s3 =	sand.u32 $0x4000, s31;
	s1 =	sadd.s32 s1, s30  }
0xbb: {  	s0 =	sor.u32 s3, s0;
	s1 =	sshll.u32 s1, $0x11  }
0xbc: {  	s0 =	sor.u32 s1, s0  }
0xbd: {  	s0 =	sadd.s32 $0x8F2B, s0  }
0xbe: {  	[sflag:s0] =	ssyncadd.remote.s32 $0x1  }
0xbf: {  	_ =	sfence.sel $0xFFFF  }
0xc0: {  	[dreg:$0x0] =	wrdreg $0xFFFFFFFF;
	(pc) =	sbr.abs _section_cstart, $3  }
0xc1: {  	[dreg:$0x1] =	wrdreg $0xFFFFFFFF  }
0xc2: {  	_ =	task.clear_ibuf [dreg:s7], $0x2FFFF;
	_ =	strace $0x9FFFFFFF  }
0xc3: {  	(tm) =	ssettm $0x7FFFFFFF  }
tec
execute0_lowered:
.L_overlay_start_1:
0x0: {  	(tag) =	ssettag $0x1  }
0x1: {  	s1 =	rddreg [dreg:$0x0]  }
0x2: {  	s0 =	rddreg [dreg:$0x1];
	s21 =	stileid.u32  }
0x3: {  	s2 =	rddreg [dreg:$0x2];
	s4 =	simm.s32 $0x0;
	s5 =	smul.u32 $0x50000, s21  }
0x4: {  	s3 =	srdreg.scid;
	s29 =	simm.s32 $0x6;
	s9 =	smul.u32 $0x2800, s21  }
0x5: {  	s31 =	simm.s32 $0x9;
	[smem:$0x7FF] =	sst s4;
	s24 =	smul.u32 $0x2710, s21  }
0x6: {  	s18 =	sadd.s32 $0xA00, s0;
	s3 =	sand.u32 $0x1, s3;
	s15 =	smul.u32 $0x14000, s21  }
0x7: {  	s19 =	sadd.s32 $0x5A00, s0;
	s0 =	sadd.s32 $0xAA00, s0;
	s20 =	smul.u32 $0x4E2, s21  }
0x8: {  	s26 =	sadd.s32 $0x12C000, s2;
	p0 =	seq.s32 s21, $0xF;
	s7 =	smul.u32 $0x27100, s3  }
0x9: {  	s21 =	simm.s32 $0x80;
	_ =	strace $0x8000004A;
	s13 =	smul.u32 $0x138800, s3  }
0xa: {  	s6 =	ssub.s32 $0x2, s3;
	[dreg:$0x6] =	wrdreg s26;
	s3 =	smul.u32 $0x2710, s3  }
0xb: {  	s26 =	simm.s32 $0x50;
	s8 =	sshrl.u32 s6, $0x1;
	s5 =	sshrl.u32 s5, $0x2  }
0xc: {  	s14 =	sshrl.u32 s24, $0x3;
	s30 =	sadd.s32 s20, s19;
	s17 =	ssub.s32 s6, s8  }
0xd: {  	s5 =	sadd.s32 s5, s2;
	s23 =	sadd.s32 s9, s7;
	s28 =	sshrl.u32 s13, $0x3  }
0xe: {  	s12 =	sadd.s32 $0xA, s14;
	s9 =	sadd.s32 s18, s14;
	s10 =	sadd.s32 s19, s14  }
0xf: {  	s14 =	sadd.s32 $0x14, s14;
	s15 =	sadd.s32 s15, s13;
	s24 =	sadd.s32 $0x1E, s30  }
0x10: {  	[dreg:$0x4] =	wrdreg s5;
	s25 =	sadd.s32 s1, s23;
	s16 =	sadd.s32 $0x25800, s28  }
.Ltmp0:
0x11: {  	s11 =	sadd.s32 s18, s12;
	s12 =	sadd.s32 s19, s12;
	(pc) =	sbr.rel .LBB2_1-.Ltmp0, $4  }
0x12: {  	s13 =	sadd.s32 s18, s14;
	s15 =	sshrl.u32 s15, $0x3;
	s14 =	sadd.s32 s19, s14  }
0x13: {  	s17 =	smax.u32 s17, $0x1;
	s18 =	sadd.s32 s20, s18;
	[dreg:$0x5] =	wrdreg s25  }
0x14: {  	s8 =	sadd.s32 s1, s16;
	s15 =	sadd.s32 s0, s15;
	s16 =	sadd.s32 s0, s16  }
0x15: {  	v0 =	vmov s3;
	s23 =	sadd.s32 $0x1E, s18;
	s25 =	simm.s32 $0x5;
	s0 =	simm.s32 $0x0  }
.LBB2_7:
0x16: {  	[bflag:$0x0] =	sbarrier.arrive $0xFFFF;
	s5 =	simm.s32 @p0 $0x1FC9  }
0x17: {  	[hbm:s16], [sflag:s5] =	dma.local @p0 [spmem:s3], $0x1900  }
0x18: {  	s3 =	simm.s32 @p0 $0x9  }
0x19: {  	s0 =	sadd.s32 $0x1, s0;
	_ =	swait.ge @p0 [sflag:s3], $0x1900  }
0x1a: {  	p1 =	sne.s32 s0, s17;
	[sflag:s3] =	ssyncset.done @p0 $0x0  }
.Ltmp1:
0x1b: {  	[sflag:s3] =	ssyncadd.s32 @p0 $0xFFFFE700;
	s3 =	simm.s32 @!p0 $0x9;
	(pc) =	sbr.rel @!p1 .LBB2_8-.Ltmp1, $4  }
0x1c: {  	[hbm:s15], [sflag:s20] =	dma.local @!p0 [spmem:s22], $0x2800  }
0x1d: {  	_ =	swait.ge @!p0 [sflag:s3], $0x2800  }
0x1e: {  	[sflag:s3] =	ssyncset.done @!p0 $0x0  }
0x1f: {  	[sflag:s3] =	ssyncadd.s32 @!p0 $0xFFFFD800  }
.LBB2_1:
0x20: {  	s3 =	rddreg [dreg:$0x6]  }
0x21: {  	s18 =	simm.s32 @p0 $0x1FC9;
	s3 =	sshrl.u32 @p0 s3, $0x3  }
0x22: {  	[spmem:s3], [sflag:s18] =	dma.local @p0 [hbm:s8], $0x1900  }
0x23: {  	s18 =	simm.s32 @p0 $0x9  }
0x24: {  	s5 =	stileid.u32;
	_ =	swait.ge @p0 [sflag:s18], $0x1900  }
0x25: {  	s19 =	sshll.u32 @!p0 s5, $0x6;
	[sflag:s18] =	ssyncset.done @p0 $0x0  }
0x26: {  	s20 =	sor.u32 @!p0 $0x1C09, s19;
	s5 =	rddreg [dreg:$0x4];
	[sflag:s18] =	ssyncadd.s32 @p0 $0xFFFFE700  }
0x27: {  	s22 =	sshrl.u32 @!p0 s5, $0x3;
	s5 =	rddreg [dreg:$0x5];
	s18 =	simm.s32 @!p0 $0x9  }
0x28: {  	[spmem:s22], [sflag:s20] =	dma.local @!p0 [hbm:s5], $0x2800  }
0x29: {  	_ =	swait.ge @!p0 [sflag:s18], $0x2800  }
0x2a: {  	[sflag:s18] =	ssyncset.done @!p0 $0x0  }
0x2b: {  	[sflag:s18] =	ssyncadd.s32 @!p0 $0xFFFFD800  }
0x2c: {  	[bflag:$0x0] =	sbarrier.arrive $0xFFFF  }
0x2d: {  	[tilespmem:s4], [sflag:$0x5] =	stream.linear.gather [hbm4b:s9+s4], $0x50, $0x38;
	[tilespmem:$0x1DC80] =	vst v63  }
0x2e: {  	s30 =	simm.s32 $0x200  }
0x2f: {  	[tilespmem:s30], [sflag:$0x5] =	stream.linear.gather [hbm4b:s10+s4], $0x50, $0x38;
	[tilespmem:$0x1DC80] =	vst v63  }
0x30: {  	_ = 	snop  }
0x31: {  	[tilespmem:s21], [sflag:$0x6] =	stream.linear.gather [hbm4b:s11+s4], $0x50, $0x38;
	[tilespmem:$0x1DC80] =	vst v63  }
0x32: {  	s6 =	simm.s32 $0x280  }
0x33: {  	[tilespmem:s6], [sflag:$0x6] =	stream.linear.gather [hbm4b:s12+s4], $0x50, $0x38;
	[tilespmem:$0x1DC80] =	vst v63  }
0x34: {  	s7 =	simm.s32 $0x100  }
0x35: {  	[tilespmem:s7], [sflag:$0x7] =	stream.linear.gather [hbm4b:s13+s4], $0x50, $0x38;
	[tilespmem:$0x1DC80] =	vst v63  }
0x36: {  	s18 =	simm.s32 $0x300  }
0x37: {  	[tilespmem:s18], [sflag:$0x7] =	stream.linear.gather [hbm4b:s14+s4], $0x50, $0x38;
	[tilespmem:$0x1DC80] =	vst v63  }
0x38: {  	_ =	swait.ge [sflag:s25], $0x50  }
0x39: {  	[sflag:s25] =	ssyncset.done $0x0  }
0x3a: {  	[sflag:s25] =	ssyncadd.s32 $0xFFFFFFB0  }
0x3b: {  	_ =	swait.ge [sflag:s25], $0x50  }
0x3c: {  	[sflag:s25] =	ssyncset.done $0x0  }
0x3d: {  	[sflag:s25] =	ssyncadd.s32 $0xFFFFFFB0  }
0x3e: {  	v1 =	vld [tilespmem:$0x0]  }
0x3f: {  	v2 =	vld [tilespmem:$0x10]  }
0x40: {  	v3 =	vld [tilespmem:$0x20]  }
0x41: {  	v4 =	vld [tilespmem:$0x30]  }
0x42: {  	v5 =	vld [tilespmem:$0x40]  }
0x43: {  	v1 =	vadd.s32 v0, v1  }
0x44: {  	[tilespmem:$0x0] =	vst v1;
	v1 =	vadd.s32 v0, v2  }
0x45: {  	[tilespmem:$0x10] =	vst v1;
	v1 =	vadd.s32 v0, v3  }
0x46: {  	[tilespmem:$0x20] =	vst v1;
	v1 =	vadd.s32 v0, v4  }
0x47: {  	[tilespmem:$0x30] =	vst v1;
	v1 =	vadd.s32 v0, v5  }
0x48: {  	s19 =	simm.s32 $0x400;
	[tilespmem:$0x40] =	vst v1  }
0x49: {  	[tilespmem:s19], [sflag:$0x1] =	stream.indirect.gather [hbm4b:s1+s26], $0x80, s4, s26, $0xb8;
	[tilespmem:$0x1DC80] =	vst v63  }
0x4a: {  	_ =	swait.ge [sflag:s29], $0x50  }
0x4b: {  	[sflag:s29] =	ssyncset.done $0x0  }
0x4c: {  	[sflag:s29] =	ssyncadd.s32 $0xFFFFFFB0  }
0x4d: {  	_ =	swait.ge [sflag:s29], $0x50  }
0x4e: {  	[sflag:s29] =	ssyncset.done $0x0  }
0x4f: {  	[sflag:s29] =	ssyncadd.s32 $0xFFFFFFB0  }
0x50: {  	v1 =	vld [tilespmem:$0x80]  }
0x51: {  	v2 =	vld [tilespmem:$0x90]  }
0x52: {  	v3 =	vld [tilespmem:$0xA0]  }
0x53: {  	v62 =	vld [tilespmem:$0xB0]  }
0x54: {  	v63 =	vld [tilespmem:$0xC0]  }
0x55: {  	v1 =	vadd.s32 v0, v1  }
0x56: {  	[tilespmem:$0x80] =	vst v1;
	v1 =	vadd.s32 v0, v2  }
.Ltmp2:
0x57: {  	[tilespmem:$0x90] =	vst v1;
	v1 =	vadd.s32 v0, v3;
	(pc) =	sbr.rel .LBB2_2-.Ltmp2, $4  }
0x58: {  	[tilespmem:$0xA0] =	vst v1;
	v1 =	vadd.s32 v0, v62  }
0x59: {  	s28 =	simm.s32 $0x0;
	[tilespmem:$0xB0] =	vst v1;
	v1 =	vadd.s32 v0, v63  }
0x5a: {  	s30 =	simm.s32 $0x2C00;
	s18 =	smov.u32 s24;
	s19 =	smov.u32 s23;
	[tilespmem:$0xC0] =	vst v1  }
0x5b: {  	[tilespmem:s30], [sflag:$0x2] =	stream.indirect.gather [hbm4b:s1+s26], $0x80, s21, s26, $0xb8;
	[tilespmem:$0x1DC80] =	vst v63  }
.LBB2_3:
0x5c: {  	s5 =	sadd.s32 $0xFFFFFFFF, s28  }
0x5d: {  	s5 =	sand.u32 $0x3, s5  }
0x5e: {  	s6 =	sadd.s32 $0x5, s5;
	s5 =	sshll.u32 s5, $0x7  }
0x5f: {  	[tilespmem:s5], [sflag:s6] =	stream.linear.gather [hbm4b:s19+s4], $0x50, $0x38;
	[tilespmem:$0x1DC80] =	vst v63  }
0x60: {  	s5 =	sor.u32 $0x200, s5  }
0x61: {  	[tilespmem:s5], [sflag:s6] =	stream.linear.gather [hbm4b:s18+s4], $0x50, $0x38;
	[tilespmem:$0x1DC80] =	vst v63  }
.LBB2_5:
0x62: {  	s5 =	sxor.u32 $0x2, s30  }
0x63: {  	s6 =	sadd.s32 $0x5, s5  }
0x64: {  	_ =	swait.ge [sflag:s6], $0x50  }
0x65: {  	[sflag:s6] =	ssyncset.done $0x0  }
0x66: {  	[sflag:s6] =	ssyncadd.s32 $0xFFFFFFB0  }
0x67: {  	_ =	swait.ge [sflag:s6], $0x50  }
0x68: {  	[sflag:s6] =	ssyncset.done $0x0  }
0x69: {  	s7 =	sshll.u32 s5, $0x7;
	[sflag:s6] =	ssyncadd.s32 $0xFFFFFFB0  }
0x6a: {  	v1 =	vld [tilespmem:s7+$0x0]  }
0x6b: {  	v2 =	vld [tilespmem:s7+$0x10]  }
0x6c: {  	v3 =	vld [tilespmem:s7+$0x20]  }
0x6d: {  	v4 =	vld [tilespmem:s7+$0x30]  }
0x6e: {  	v5 =	vld [tilespmem:s7+$0x40]  }
0x6f: {  	v1 =	vadd.s32 v0, v1  }
0x70: {  	[tilespmem:s7+$0x0] =	vst v1;
	v1 =	vadd.s32 v0, v2  }
0x71: {  	s6 =	smul.u32 $0xA000, s5;
	[tilespmem:s7+$0x10] =	vst v1;
	v1 =	vadd.s32 v0, v3  }
0x72: {  	[tilespmem:s7+$0x20] =	vst v1;
	v1 =	vadd.s32 v0, v4  }
0x73: {  	s6 =	sshrl.u32 s6, $0x2;
	[tilespmem:s7+$0x30] =	vst v1;
	v1 =	vadd.s32 v0, v5  }
0x74: {  	s5 =	sadd.s32 $0x1, s5;
	s6 =	sor.u32 $0x400, s6;
	[tilespmem:s7+$0x40] =	vst v1  }
0x75: {  	[tilespmem:s6], [sflag:s5] =	stream.indirect.gather [hbm4b:s1+s26], $0x80, s7, s26, $0xb8;
	[tilespmem:$0x1DC80] =	vst v63  }
.LBB2_6:
0x76: {  	s5 =	smul.u32 $0xA000, s30;
	s6 =	sadd.s32 $0x1, s30;
	s7 =	sshll.u32 s30, $0x7  }
0x77: {  	s28 =	sadd.s32 $0x1, s28;
	_ =	swait.ge [sflag:s6], $0x2800;
	s30 =	sor.u32 $0x200, s7  }
0x78: {  	p1 =	sne.s32 s28, $0x7D;
	s5 =	sshrl.u32 s5, $0x2;
	[sflag:s6] =	ssyncset.done $0x0  }
.Ltmp3:
0x79: {  	s5 =	sor.u32 $0x400, s5;
	[sflag:s6] =	ssyncadd.s32 $0xFFFFD800;
	(pc) =	sbr.rel @!p1 .LBB2_7-.Ltmp3, $4  }
0x7a: {  	[spmem:s2] =	stream.indirect.scatter.add.f32 [tilespmem:s5], [sflag:$0x9], $0x80, s30, s26, $0xb8;
	[tilespmem:$0x1DC80] =	vst v63  }
0x7b: {  	_ =	swait.ge [sflag:s31], $0x2800  }
0x7c: {  	[sflag:s31] =	ssyncset.done $0x0  }
0x7d: {  	s18 =	sadd.s32 $0xA, s18;
	s19 =	sadd.s32 $0xA, s19;
	[sflag:s31] =	ssyncadd.s32 $0xFFFFD800  }
.LBB2_2:
0x7e: {  	p1 =	sgt.u32 s28, $0x79  }
.Ltmp4:
0x7f: {  	_ = 	snop;
	(pc) =	sbr.rel @!p1 .LBB2_3-.Ltmp4, $2  }
0x80: {  	_ =	sdelay $0x2  }
0x81: {  	s30 =	sand.u32 $0x3, s28  }
0x82: {  	p1 =	sne.s32 s28, $0x7A  }
.Ltmp5:
0x83: {  	_ = 	snop;
	(pc) =	sbr.rel @p1 .LBB2_6-.Ltmp5, $4  }
.Ltmp6:
0x84: {  	_ = 	snop;
	(pc) =	sbr.rel @!p1 .LBB2_5-.Ltmp6, $4  }
0x85: {  	_ = 	snop  }
0x86: {  	_ = 	snop  }
0x87: {  	_ = 	snop  }
0x88: {  	_ = 	snop  }
.LBB2_8:
0x89: {  	_ =	sfence.sel $0x180000  }
0x8a: {  	[bflag:$0x0] =	sbarrier.arrive $0xFFFF  }
0x8b: {  	_ =	strace $0x9000004A  }
0x8c: {  	s0 =	stileid.u32;
	[bflag:$0x2] =	sbarrier.arrive $0xFFFF  }
0x8d: {  	p0 =	sne.s32 s0, $0x0;
	s0 =	rddreg [dreg:$0x3]  }
0x8e: {  	s0 =	sadd.s32 @!p0 $0x100000, s0  }
0x8f: {  	[sflag:s0] =	ssyncadd.tile.s32 @!p0 $0x1;
	_ =	shalt  }
.Lfunc_end2:
_tile_overlayer_lowered:
.L_overlay_start_2:
0x90: {  	(tag) =	ssettag $0x2  }
0x91: {  	s0 =	rddreg [dreg:$0x0];
	s2 =	stileid.u32  }
0x92: {  	s1 =	rddreg [dreg:$0x1];
	p0 =	sne.s32 s2, $0x0  }
0x93: {  	s3 =	rddreg [dreg:$0x2];
	[bflag:$0x3] =	sbarrier.arrive $0xFFFF;
	s2 =	simm.s32 @!p0 $0x1C09  }
0x94: {  	[timem:s3], [sflag:s2] =	dma.local @!p0 [hbm:s0], s1  }
0x95: {  	s0 =	simm.s32 @!p0 $0x9  }
0x96: {  	_ =	swait.ge @!p0 [sflag:s0], s1  }
0x97: {  	s1 =	ssub.s32 @!p0 $0x0, s1;
	[sflag:s0] =	ssyncset.done @!p0 $0x0  }
0x98: {  	[sflag:s0] =	ssyncadd.s32 @!p0 s1  }
0x99: {  	[bflag:$0x3] =	sbarrier.arrive $0xFFFF  }
0x9a: {  	_ =	shalt  }

</sc_bundles>
